<compile_context>
chip_gen: v7x
topology: tpu7x:2x2x1
jax: 0.10.2.dev20260603
libtpu: 0.0.44.dev20260713+nightly
codegen_flags: <defaults>
</compile_context>

<pallas_src>
import functools

import jax
import jax.numpy as jnp
from jax import lax
from jax.experimental import pallas as pl
from jax.experimental.pallas import tpu as pltpu
from jax.experimental.pallas import tpu_sc as plsc

NUM_ITEMS = 1000000
LATENT = 64
BATCH = 16384

NC = 2
NS = 16
NW = NC * NS
B_PER_W = BATCH // NW

_BLK = 40960


def _mv_body(xT_ref, w_ref, b_ref, o_ref):
  x = xT_ref[...]
  w = w_ref[...]
  o_ref[...] = jnp.sum(x * w, axis=0) + b_ref[0]


def _matvec_stage(tableT, W, b):
  grid = (pl.cdiv(NUM_ITEMS, _BLK),)
  return pl.pallas_call(
      _mv_body,
      grid=grid,
      in_specs=[
          pl.BlockSpec((LATENT, _BLK), lambda i: (0, i)),
          pl.BlockSpec((LATENT, 1), lambda i: (0, 0)),
          pl.BlockSpec(memory_space=pltpu.SMEM),
      ],
      out_specs=pl.BlockSpec((_BLK,), lambda i: (i,)),
      out_shape=jax.ShapeDtypeStruct((NUM_ITEMS,), jnp.float32),
  )(tableT, W.reshape(LATENT, 1), b)


def _make_select():
  mesh = plsc.VectorSubcoreMesh(
      core_axis_name="c", subcore_axis_name="s", num_cores=NC,
      num_subcores=NS)

  @functools.partial(
      pl.kernel,
      mesh=mesh,
      out_type=jax.ShapeDtypeStruct((BATCH,), jnp.float32),
      scratch_types=[
          pltpu.VMEM((B_PER_W,), jnp.int32),
          pltpu.VMEM((B_PER_W,), jnp.float32),
          pltpu.SemaphoreType.DMA,
      ],
  )
  def select_k(idx_hbm, s_hbm, out_hbm, idx_v, g_v, sem):
    cid = lax.axis_index("c")
    sid = lax.axis_index("s")
    wid = sid * NC + cid
    base = wid * B_PER_W
    pltpu.sync_copy(idx_hbm.at[pl.ds(base, B_PER_W)], idx_v)
    pltpu.async_copy(s_hbm.at[idx_v], g_v, sem).wait()
    for g in range(B_PER_W // 16):
      v = g_v[pl.ds(g * 16, 16)]
      r = 1.0 / (1.0 + jnp.exp(-v))
      g_v[pl.ds(g * 16, 16)] = r
    pltpu.sync_copy(g_v, out_hbm.at[pl.ds(base, B_PER_W)])

  return select_k


_select = _make_select()


@jax.jit
def kernel(item_indices, emb_table, W, b):
  idx0 = (item_indices - 1).astype(jnp.int32)
  s = _matvec_stage(emb_table.T, W, b)
  return _select(idx0, s)

# --- scband reference (transcript-rebuilt; emitter-appended) ---
"""Pipeline reference for scband-neu-mf-11450382811589 (READ-ONLY COPY).

The authoritative reference and input builder live on the scoring server;
editing this copy changes nothing except your own understanding.
"""

import jax, jax.numpy as jnp
import numpy as np

NUM_ITEMS = 1000000
LATENT = 64
BATCH = 16384

def setup_inputs(seed: int = 0) -> dict:
    key = jax.random.key(seed)
    k1, k2, k3, k4 = jax.random.split(key, 4)
    # indices in [1, NUM_ITEMS] because forward subtracts 1 before lookup
    item_indices = jax.random.randint(k1, (BATCH,), 1, NUM_ITEMS + 1, dtype=jnp.int64) if jax.config.read('jax_enable_x64') else jax.random.randint(k1, (BATCH,), 1, NUM_ITEMS + 1, dtype=jnp.int32)
    # embedding table ~ N(0, 0.01)
    emb_table = jax.random.normal(k2, (NUM_ITEMS, LATENT), dtype=jnp.float32) * 0.01
    # affine_output: Linear(latent -> 1), xavier_uniform init
    limit = float(np.sqrt(6.0 / (LATENT + 1)))
    W = jax.random.uniform(k3, (1, LATENT), dtype=jnp.float32, minval=-limit, maxval=limit)
    b = jnp.zeros((1,), dtype=jnp.float32)
    return {"item_indices": item_indices, "emb_table": emb_table, "W": W, "b": b}

def reference(item_indices, emb_table, W, b):
    idx = item_indices - 1
    item_embedding = jnp.take(emb_table, idx, axis=0)  # [B, latent]
    logits = item_embedding @ W.T + b                  # [B, 1]
    rating = jax.nn.sigmoid(logits)
    return jnp.squeeze(rating)

if __name__ == "__main__":
    import jax
    _d = setup_inputs()
    print(jax.jit(kernel)(*tuple(_d.values())))

</pallas_src>

<mosaic_0001>
#map = affine_map<(d0, d1) -> (0)>
module attributes {stable_mosaic.version = 14 : i64} {
  func.func @select_k(%arg0: i32, %arg1: i32, %arg2: memref<16384xi32, #tpu.memory_space<hbm>>, %arg3: memref<1000000xf32, #tpu.memory_space<hbm>>, %arg4: memref<16384xf32, #tpu.memory_space<hbm>>, %arg5: memref<512xi32, #tpu.memory_space<vmem>>, %arg6: memref<512xf32, #tpu.memory_space<vmem>>, %arg7: memref<!tpu.dma_semaphore, #tpu.memory_space<semaphore_mem>>) attributes {dimension_semantics = [#tpu.dimension_semantics<core_parallel>, #tpu.dimension_semantics<subcore_parallel>], iteration_bounds = array<i64: 2, 16>, scalar_prefetch = 0 : i64, scratch_operands = 3 : i64, tpu.core_type = #tpu.core_type<sc_vector_subcore>, window_params = [{transform_indices = #map}, {transform_indices = #map}, {transform_indices = #map}]} {
    %mul3A = arith.constant 2 : i32
    %mul3A_0 = arith.muli %arg1, %mul3A : i32
    %add3A = arith.addi %mul3A_0, %arg0 : i32
    %mul3A_1 = arith.constant 512 : i32
    %mul3A_2 = arith.muli %add3A, %mul3A_1 : i32
    "tpu.region"() ({
      %run_scoped3A = tpu.sem_alloc : memref<!tpu.dma_semaphore, #tpu.memory_space<semaphore_mem>>
      %dma_start3A_544 = tpu.memref_slice %arg2[%mul3A_2] : memref<16384xi32, #tpu.memory_space<hbm>> -> memref<512xi32, #tpu.memory_space<hbm>>
      %dma_start3A_545 = tpu.memref_slice %arg2[%mul3A_2] : memref<16384xi32, #tpu.memory_space<hbm>> -> memref<512xi32, #tpu.memory_space<hbm>>
      tpu.enqueue_dma source(%dma_start3A_545 : memref<512xi32, #tpu.memory_space<hbm>>) target(%arg5 : memref<512xi32, #tpu.memory_space<vmem>>) target_semaphore(%run_scoped3A : memref<!tpu.dma_semaphore, #tpu.memory_space<semaphore_mem>>)
      %dma_wait3A_546 = tpu.memref_slice %arg2[%mul3A_2] : memref<16384xi32, #tpu.memory_space<hbm>> -> memref<512xi32, #tpu.memory_space<hbm>>
      %dma_wait3A_547 = tpu.memref_slice %arg2[%mul3A_2] : memref<16384xi32, #tpu.memory_space<hbm>> -> memref<512xi32, #tpu.memory_space<hbm>>
      tpu.wait_dma2 semaphore(%run_scoped3A : memref<!tpu.dma_semaphore, #tpu.memory_space<semaphore_mem>>) src(%dma_wait3A_547 : memref<512xi32, #tpu.memory_space<hbm>>) dst(%arg5 : memref<512xi32, #tpu.memory_space<vmem>>)
      tpu.yield
    }) : () -> ()
    %dma_start3A = arith.constant 0 : i32
    %dma_start3A_3 = tpu.memref_slice %arg3[%dma_start3A] : memref<1000000xf32, #tpu.memory_space<hbm>> -> memref<1000000xf32, #tpu.memory_space<hbm>>
    tpu.enqueue_indirect_dma source(%dma_start3A_3 : memref<1000000xf32, #tpu.memory_space<hbm>>) target(%arg6 : memref<512xf32, #tpu.memory_space<vmem>>) offsets(%arg5 : memref<512xi32, #tpu.memory_space<vmem>>) semaphore(%arg7 : memref<!tpu.dma_semaphore, #tpu.memory_space<semaphore_mem>>)
    %dma_wait3A = arith.constant 0 : i32
    %dma_wait3A_4 = tpu.memref_slice %arg3[%dma_wait3A] : memref<1000000xf32, #tpu.memory_space<hbm>> -> memref<1000000xf32, #tpu.memory_space<hbm>>
    tpu.wait_indirect_dma semaphore(%arg7 : memref<!tpu.dma_semaphore, #tpu.memory_space<semaphore_mem>>) src(%dma_wait3A_4 : memref<1000000xf32, #tpu.memory_space<hbm>>) dst(%arg6 : memref<512xf32, #tpu.memory_space<vmem>>)
    %get3A = arith.constant 0 : index
    %get3A_5 = tpu.vector_load %arg6[%get3A] {strides = array<i32>} : memref<512xf32, #tpu.memory_space<vmem>>, vector<16xf32>,
    %get3A_6 = vector.shape_cast %get3A_5 : vector<16xf32> to vector<16xf32>
    %neg3A = arith.constant 0.000000e+00 : f32
    %neg3A_7 = vector.broadcast %neg3A : f32 to vector<16xf32>
    %neg3A_8 = arith.subf %neg3A_7, %get3A_6 : vector<16xf32>
    %exp3A = math.exp %neg3A_8 : vector<16xf32>
    %add3A_9 = arith.constant 1.000000e+00 : f32
    %add3A_10 = vector.broadcast %add3A_9 : f32 to vector<16xf32>
    %add3A_11 = arith.addf %add3A_10, %exp3A : vector<16xf32>
    %div3A = arith.constant 1.000000e+00 : f32
    %div3A_12 = vector.broadcast %div3A : f32 to vector<16xf32>
    %div3A_13 = arith.divf %div3A_12, %add3A_11 : vector<16xf32>
    %swap3A = arith.constant 0 : index
    %swap3A_14 = tpu.vector_load %arg6[%swap3A] {strides = array<i32>} : memref<512xf32, #tpu.memory_space<vmem>>, vector<16xf32>,
    %swap3A_15 = vector.shape_cast %swap3A_14 : vector<16xf32> to vector<16xf32>
    %swap3A_16 = vector.shape_cast %div3A_13 : vector<16xf32> to vector<16xf32>
    tpu.vector_store %arg6[%swap3A], %swap3A_16 {strides = array<i32>} : memref<512xf32, #tpu.memory_space<vmem>>, vector<16xf32>,
    %get3A_17 = arith.constant 16 : index
    %get3A_18 = tpu.vector_load %arg6[%get3A_17] {strides = array<i32>} : memref<512xf32, #tpu.memory_space<vmem>>, vector<16xf32>,
    %get3A_19 = vector.shape_cast %get3A_18 : vector<16xf32> to vector<16xf32>
    %neg3A_20 = arith.constant 0.000000e+00 : f32
    %neg3A_21 = vector.broadcast %neg3A_20 : f32 to vector<16xf32>
    %neg3A_22 = arith.subf %neg3A_21, %get3A_19 : vector<16xf32>
    %exp3A_23 = math.exp %neg3A_22 : vector<16xf32>
    %add3A_24 = arith.constant 1.000000e+00 : f32
    %add3A_25 = vector.broadcast %add3A_24 : f32 to vector<16xf32>
    %add3A_26 = arith.addf %add3A_25, %exp3A_23 : vector<16xf32>
    %div3A_27 = arith.constant 1.000000e+00 : f32
    %div3A_28 = vector.broadcast %div3A_27 : f32 to vector<16xf32>
    %div3A_29 = arith.divf %div3A_28, %add3A_26 : vector<16xf32>
    %swap3A_30 = arith.constant 16 : index
    %swap3A_31 = tpu.vector_load %arg6[%swap3A_30] {strides = array<i32>} : memref<512xf32, #tpu.memory_space<vmem>>, vector<16xf32>,
    %swap3A_32 = vector.shape_cast %swap3A_31 : vector<16xf32> to vector<16xf32>
    %swap3A_33 = vector.shape_cast %div3A_29 : vector<16xf32> to vector<16xf32>
    tpu.vector_store %arg6[%swap3A_30], %swap3A_33 {strides = array<i32>} : memref<512xf32, #tpu.memory_space<vmem>>, vector<16xf32>,
    %get3A_34 = arith.constant 32 : index
    %get3A_35 = tpu.vector_load %arg6[%get3A_34] {strides = array<i32>} : memref<512xf32, #tpu.memory_space<vmem>>, vector<16xf32>,
    %get3A_36 = vector.shape_cast %get3A_35 : vector<16xf32> to vector<16xf32>
    %neg3A_37 = arith.constant 0.000000e+00 : f32
    %neg3A_38 = vector.broadcast %neg3A_37 : f32 to vector<16xf32>
    %neg3A_39 = arith.subf %neg3A_38, %get3A_36 : vector<16xf32>
    %exp3A_40 = math.exp %neg3A_39 : vector<16xf32>
    %add3A_41 = arith.constant 1.000000e+00 : f32
    %add3A_42 = vector.broadcast %add3A_41 : f32 to vector<16xf32>
    %add3A_43 = arith.addf %add3A_42, %exp3A_40 : vector<16xf32>
    %div3A_44 = arith.constant 1.000000e+00 : f32
    %div3A_45 = vector.broadcast %div3A_44 : f32 to vector<16xf32>
    %div3A_46 = arith.divf %div3A_45, %add3A_43 : vector<16xf32>
    %swap3A_47 = arith.constant 32 : index
    %swap3A_48 = tpu.vector_load %arg6[%swap3A_47] {strides = array<i32>} : memref<512xf32, #tpu.memory_space<vmem>>, vector<16xf32>,
    %swap3A_49 = vector.shape_cast %swap3A_48 : vector<16xf32> to vector<16xf32>
    %swap3A_50 = vector.shape_cast %div3A_46 : vector<16xf32> to vector<16xf32>
    tpu.vector_store %arg6[%swap3A_47], %swap3A_50 {strides = array<i32>} : memref<512xf32, #tpu.memory_space<vmem>>, vector<16xf32>,
    %get3A_51 = arith.constant 48 : index
    %get3A_52 = tpu.vector_load %arg6[%get3A_51] {strides = array<i32>} : memref<512xf32, #tpu.memory_space<vmem>>, vector<16xf32>,
    %get3A_53 = vector.shape_cast %get3A_52 : vector<16xf32> to vector<16xf32>
    %neg3A_54 = arith.constant 0.000000e+00 : f32
    %neg3A_55 = vector.broadcast %neg3A_54 : f32 to vector<16xf32>
    %neg3A_56 = arith.subf %neg3A_55, %get3A_53 : vector<16xf32>
    %exp3A_57 = math.exp %neg3A_56 : vector<16xf32>
    %add3A_58 = arith.constant 1.000000e+00 : f32
    %add3A_59 = vector.broadcast %add3A_58 : f32 to vector<16xf32>
    %add3A_60 = arith.addf %add3A_59, %exp3A_57 : vector<16xf32>
    %div3A_61 = arith.constant 1.000000e+00 : f32
    %div3A_62 = vector.broadcast %div3A_61 : f32 to vector<16xf32>
    %div3A_63 = arith.divf %div3A_62, %add3A_60 : vector<16xf32>
    %swap3A_64 = arith.constant 48 : index
    %swap3A_65 = tpu.vector_load %arg6[%swap3A_64] {strides = array<i32>} : memref<512xf32, #tpu.memory_space<vmem>>, vector<16xf32>,
    %swap3A_66 = vector.shape_cast %swap3A_65 : vector<16xf32> to vector<16xf32>
    %swap3A_67 = vector.shape_cast %div3A_63 : vector<16xf32> to vector<16xf32>
    tpu.vector_store %arg6[%swap3A_64], %swap3A_67 {strides = array<i32>} : memref<512xf32, #tpu.memory_space<vmem>>, vector<16xf32>,
    %get3A_68 = arith.constant 64 : index
    %get3A_69 = tpu.vector_load %arg6[%get3A_68] {strides = array<i32>} : memref<512xf32, #tpu.memory_space<vmem>>, vector<16xf32>,
    %get3A_70 = vector.shape_cast %get3A_69 : vector<16xf32> to vector<16xf32>
    %neg3A_71 = arith.constant 0.000000e+00 : f32
    %neg3A_72 = vector.broadcast %neg3A_71 : f32 to vector<16xf32>
    %neg3A_73 = arith.subf %neg3A_72, %get3A_70 : vector<16xf32>
    %exp3A_74 = math.exp %neg3A_73 : vector<16xf32>
    %add3A_75 = arith.constant 1.000000e+00 : f32
    %add3A_76 = vector.broadcast %add3A_75 : f32 to vector<16xf32>
    %add3A_77 = arith.addf %add3A_76, %exp3A_74 : vector<16xf32>
    %div3A_78 = arith.constant 1.000000e+00 : f32
    %div3A_79 = vector.broadcast %div3A_78 : f32 to vector<16xf32>
    %div3A_80 = arith.divf %div3A_79, %add3A_77 : vector<16xf32>
    %swap3A_81 = arith.constant 64 : index
    %swap3A_82 = tpu.vector_load %arg6[%swap3A_81] {strides = array<i32>} : memref<512xf32, #tpu.memory_space<vmem>>, vector<16xf32>,
    %swap3A_83 = vector.shape_cast %swap3A_82 : vector<16xf32> to vector<16xf32>
    %swap3A_84 = vector.shape_cast %div3A_80 : vector<16xf32> to vector<16xf32>
    tpu.vector_store %arg6[%swap3A_81], %swap3A_84 {strides = array<i32>} : memref<512xf32, #tpu.memory_space<vmem>>, vector<16xf32>,
    %get3A_85 = arith.constant 80 : index
    %get3A_86 = tpu.vector_load %arg6[%get3A_85] {strides = array<i32>} : memref<512xf32, #tpu.memory_space<vmem>>, vector<16xf32>,
    %get3A_87 = vector.shape_cast %get3A_86 : vector<16xf32> to vector<16xf32>
    %neg3A_88 = arith.constant 0.000000e+00 : f32
    %neg3A_89 = vector.broadcast %neg3A_88 : f32 to vector<16xf32>
    %neg3A_90 = arith.subf %neg3A_89, %get3A_87 : vector<16xf32>
    %exp3A_91 = math.exp %neg3A_90 : vector<16xf32>
    %add3A_92 = arith.constant 1.000000e+00 : f32
    %add3A_93 = vector.broadcast %add3A_92 : f32 to vector<16xf32>
    %add3A_94 = arith.addf %add3A_93, %exp3A_91 : vector<16xf32>
    %div3A_95 = arith.constant 1.000000e+00 : f32
    %div3A_96 = vector.broadcast %div3A_95 : f32 to vector<16xf32>
    %div3A_97 = arith.divf %div3A_96, %add3A_94 : vector<16xf32>
    %swap3A_98 = arith.constant 80 : index
    %swap3A_99 = tpu.vector_load %arg6[%swap3A_98] {strides = array<i32>} : memref<512xf32, #tpu.memory_space<vmem>>, vector<16xf32>,
    %swap3A_100 = vector.shape_cast %swap3A_99 : vector<16xf32> to vector<16xf32>
    %swap3A_101 = vector.shape_cast %div3A_97 : vector<16xf32> to vector<16xf32>
    tpu.vector_store %arg6[%swap3A_98], %swap3A_101 {strides = array<i32>} : memref<512xf32, #tpu.memory_space<vmem>>, vector<16xf32>,
    %get3A_102 = arith.constant 96 : index
    %get3A_103 = tpu.vector_load %arg6[%get3A_102] {strides = array<i32>} : memref<512xf32, #tpu.memory_space<vmem>>, vector<16xf32>,
    %get3A_104 = vector.shape_cast %get3A_103 : vector<16xf32> to vector<16xf32>
    %neg3A_105 = arith.constant 0.000000e+00 : f32
    %neg3A_106 = vector.broadcast %neg3A_105 : f32 to vector<16xf32>
    %neg3A_107 = arith.subf %neg3A_106, %get3A_104 : vector<16xf32>
    %exp3A_108 = math.exp %neg3A_107 : vector<16xf32>
    %add3A_109 = arith.constant 1.000000e+00 : f32
    %add3A_110 = vector.broadcast %add3A_109 : f32 to vector<16xf32>
    %add3A_111 = arith.addf %add3A_110, %exp3A_108 : vector<16xf32>
    %div3A_112 = arith.constant 1.000000e+00 : f32
    %div3A_113 = vector.broadcast %div3A_112 : f32 to vector<16xf32>
    %div3A_114 = arith.divf %div3A_113, %add3A_111 : vector<16xf32>
    %swap3A_115 = arith.constant 96 : index
    %swap3A_116 = tpu.vector_load %arg6[%swap3A_115] {strides = array<i32>} : memref<512xf32, #tpu.memory_space<vmem>>, vector<16xf32>,
    %swap3A_117 = vector.shape_cast %swap3A_116 : vector<16xf32> to vector<16xf32>
    %swap3A_118 = vector.shape_cast %div3A_114 : vector<16xf32> to vector<16xf32>
    tpu.vector_store %arg6[%swap3A_115], %swap3A_118 {strides = array<i32>} : memref<512xf32, #tpu.memory_space<vmem>>, vector<16xf32>,
    %get3A_119 = arith.constant 112 : index
    %get3A_120 = tpu.vector_load %arg6[%get3A_119] {strides = array<i32>} : memref<512xf32, #tpu.memory_space<vmem>>, vector<16xf32>,
    %get3A_121 = vector.shape_cast %get3A_120 : vector<16xf32> to vector<16xf32>
    %neg3A_122 = arith.constant 0.000000e+00 : f32
    %neg3A_123 = vector.broadcast %neg3A_122 : f32 to vector<16xf32>
    %neg3A_124 = arith.subf %neg3A_123, %get3A_121 : vector<16xf32>
    %exp3A_125 = math.exp %neg3A_124 : vector<16xf32>
    %add3A_126 = arith.constant 1.000000e+00 : f32
    %add3A_127 = vector.broadcast %add3A_126 : f32 to vector<16xf32>
    %add3A_128 = arith.addf %add3A_127, %exp3A_125 : vector<16xf32>
    %div3A_129 = arith.constant 1.000000e+00 : f32
    %div3A_130 = vector.broadcast %div3A_129 : f32 to vector<16xf32>
    %div3A_131 = arith.divf %div3A_130, %add3A_128 : vector<16xf32>
    %swap3A_132 = arith.constant 112 : index
    %swap3A_133 = tpu.vector_load %arg6[%swap3A_132] {strides = array<i32>} : memref<512xf32, #tpu.memory_space<vmem>>, vector<16xf32>,
    %swap3A_134 = vector.shape_cast %swap3A_133 : vector<16xf32> to vector<16xf32>
    %swap3A_135 = vector.shape_cast %div3A_131 : vector<16xf32> to vector<16xf32>
    tpu.vector_store %arg6[%swap3A_132], %swap3A_135 {strides = array<i32>} : memref<512xf32, #tpu.memory_space<vmem>>, vector<16xf32>,
    %get3A_136 = arith.constant 128 : index
    %get3A_137 = tpu.vector_load %arg6[%get3A_136] {strides = array<i32>} : memref<512xf32, #tpu.memory_space<vmem>>, vector<16xf32>,
    %get3A_138 = vector.shape_cast %get3A_137 : vector<16xf32> to vector<16xf32>
    %neg3A_139 = arith.constant 0.000000e+00 : f32
    %neg3A_140 = vector.broadcast %neg3A_139 : f32 to vector<16xf32>
    %neg3A_141 = arith.subf %neg3A_140, %get3A_138 : vector<16xf32>
    %exp3A_142 = math.exp %neg3A_141 : vector<16xf32>
    %add3A_143 = arith.constant 1.000000e+00 : f32
    %add3A_144 = vector.broadcast %add3A_143 : f32 to vector<16xf32>
    %add3A_145 = arith.addf %add3A_144, %exp3A_142 : vector<16xf32>
    %div3A_146 = arith.constant 1.000000e+00 : f32
    %div3A_147 = vector.broadcast %div3A_146 : f32 to vector<16xf32>
    %div3A_148 = arith.divf %div3A_147, %add3A_145 : vector<16xf32>
    %swap3A_149 = arith.constant 128 : index
    %swap3A_150 = tpu.vector_load %arg6[%swap3A_149] {strides = array<i32>} : memref<512xf32, #tpu.memory_space<vmem>>, vector<16xf32>,
    %swap3A_151 = vector.shape_cast %swap3A_150 : vector<16xf32> to vector<16xf32>
    %swap3A_152 = vector.shape_cast %div3A_148 : vector<16xf32> to vector<16xf32>
    tpu.vector_store %arg6[%swap3A_149], %swap3A_152 {strides = array<i32>} : memref<512xf32, #tpu.memory_space<vmem>>, vector<16xf32>,
    %get3A_153 = arith.constant 144 : index
    %get3A_154 = tpu.vector_load %arg6[%get3A_153] {strides = array<i32>} : memref<512xf32, #tpu.memory_space<vmem>>, vector<16xf32>,
    %get3A_155 = vector.shape_cast %get3A_154 : vector<16xf32> to vector<16xf32>
    %neg3A_156 = arith.constant 0.000000e+00 : f32
    %neg3A_157 = vector.broadcast %neg3A_156 : f32 to vector<16xf32>
    %neg3A_158 = arith.subf %neg3A_157, %get3A_155 : vector<16xf32>
    %exp3A_159 = math.exp %neg3A_158 : vector<16xf32>
    %add3A_160 = arith.constant 1.000000e+00 : f32
    %add3A_161 = vector.broadcast %add3A_160 : f32 to vector<16xf32>
    %add3A_162 = arith.addf %add3A_161, %exp3A_159 : vector<16xf32>
    %div3A_163 = arith.constant 1.000000e+00 : f32
    %div3A_164 = vector.broadcast %div3A_163 : f32 to vector<16xf32>
    %div3A_165 = arith.divf %div3A_164, %add3A_162 : vector<16xf32>
    %swap3A_166 = arith.constant 144 : index
    %swap3A_167 = tpu.vector_load %arg6[%swap3A_166] {strides = array<i32>} : memref<512xf32, #tpu.memory_space<vmem>>, vector<16xf32>,
    %swap3A_168 = vector.shape_cast %swap3A_167 : vector<16xf32> to vector<16xf32>
    %swap3A_169 = vector.shape_cast %div3A_165 : vector<16xf32> to vector<16xf32>
    tpu.vector_store %arg6[%swap3A_166], %swap3A_169 {strides = array<i32>} : memref<512xf32, #tpu.memory_space<vmem>>, vector<16xf32>,
    %get3A_170 = arith.constant 160 : index
    %get3A_171 = tpu.vector_load %arg6[%get3A_170] {strides = array<i32>} : memref<512xf32, #tpu.memory_space<vmem>>, vector<16xf32>,
    %get3A_172 = vector.shape_cast %get3A_171 : vector<16xf32> to vector<16xf32>
    %neg3A_173 = arith.constant 0.000000e+00 : f32
    %neg3A_174 = vector.broadcast %neg3A_173 : f32 to vector<16xf32>
    %neg3A_175 = arith.subf %neg3A_174, %get3A_172 : vector<16xf32>
    %exp3A_176 = math.exp %neg3A_175 : vector<16xf32>
    %add3A_177 = arith.constant 1.000000e+00 : f32
    %add3A_178 = vector.broadcast %add3A_177 : f32 to vector<16xf32>
    %add3A_179 = arith.addf %add3A_178, %exp3A_176 : vector<16xf32>
    %div3A_180 = arith.constant 1.000000e+00 : f32
    %div3A_181 = vector.broadcast %div3A_180 : f32 to vector<16xf32>
    %div3A_182 = arith.divf %div3A_181, %add3A_179 : vector<16xf32>
    %swap3A_183 = arith.constant 160 : index
    %swap3A_184 = tpu.vector_load %arg6[%swap3A_183] {strides = array<i32>} : memref<512xf32, #tpu.memory_space<vmem>>, vector<16xf32>,
    %swap3A_185 = vector.shape_cast %swap3A_184 : vector<16xf32> to vector<16xf32>
    %swap3A_186 = vector.shape_cast %div3A_182 : vector<16xf32> to vector<16xf32>
    tpu.vector_store %arg6[%swap3A_183], %swap3A_186 {strides = array<i32>} : memref<512xf32, #tpu.memory_space<vmem>>, vector<16xf32>,
    %get3A_187 = arith.constant 176 : index
    %get3A_188 = tpu.vector_load %arg6[%get3A_187] {strides = array<i32>} : memref<512xf32, #tpu.memory_space<vmem>>, vector<16xf32>,
    %get3A_189 = vector.shape_cast %get3A_188 : vector<16xf32> to vector<16xf32>
    %neg3A_190 = arith.constant 0.000000e+00 : f32
    %neg3A_191 = vector.broadcast %neg3A_190 : f32 to vector<16xf32>
    %neg3A_192 = arith.subf %neg3A_191, %get3A_189 : vector<16xf32>
    %exp3A_193 = math.exp %neg3A_192 : vector<16xf32>
    %add3A_194 = arith.constant 1.000000e+00 : f32
    %add3A_195 = vector.broadcast %add3A_194 : f32 to vector<16xf32>
    %add3A_196 = arith.addf %add3A_195, %exp3A_193 : vector<16xf32>
    %div3A_197 = arith.constant 1.000000e+00 : f32
    %div3A_198 = vector.broadcast %div3A_197 : f32 to vector<16xf32>
    %div3A_199 = arith.divf %div3A_198, %add3A_196 : vector<16xf32>
    %swap3A_200 = arith.constant 176 : index
    %swap3A_201 = tpu.vector_load %arg6[%swap3A_200] {strides = array<i32>} : memref<512xf32, #tpu.memory_space<vmem>>, vector<16xf32>,
    %swap3A_202 = vector.shape_cast %swap3A_201 : vector<16xf32> to vector<16xf32>
    %swap3A_203 = vector.shape_cast %div3A_199 : vector<16xf32> to vector<16xf32>
    tpu.vector_store %arg6[%swap3A_200], %swap3A_203 {strides = array<i32>} : memref<512xf32, #tpu.memory_space<vmem>>, vector<16xf32>,
    %get3A_204 = arith.constant 192 : index
    %get3A_205 = tpu.vector_load %arg6[%get3A_204] {strides = array<i32>} : memref<512xf32, #tpu.memory_space<vmem>>, vector<16xf32>,
    %get3A_206 = vector.shape_cast %get3A_205 : vector<16xf32> to vector<16xf32>
    %neg3A_207 = arith.constant 0.000000e+00 : f32
    %neg3A_208 = vector.broadcast %neg3A_207 : f32 to vector<16xf32>
    %neg3A_209 = arith.subf %neg3A_208, %get3A_206 : vector<16xf32>
    %exp3A_210 = math.exp %neg3A_209 : vector<16xf32>
    %add3A_211 = arith.constant 1.000000e+00 : f32
    %add3A_212 = vector.broadcast %add3A_211 : f32 to vector<16xf32>
    %add3A_213 = arith.addf %add3A_212, %exp3A_210 : vector<16xf32>
    %div3A_214 = arith.constant 1.000000e+00 : f32
    %div3A_215 = vector.broadcast %div3A_214 : f32 to vector<16xf32>
    %div3A_216 = arith.divf %div3A_215, %add3A_213 : vector<16xf32>
    %swap3A_217 = arith.constant 192 : index
    %swap3A_218 = tpu.vector_load %arg6[%swap3A_217] {strides = array<i32>} : memref<512xf32, #tpu.memory_space<vmem>>, vector<16xf32>,
    %swap3A_219 = vector.shape_cast %swap3A_218 : vector<16xf32> to vector<16xf32>
    %swap3A_220 = vector.shape_cast %div3A_216 : vector<16xf32> to vector<16xf32>
    tpu.vector_store %arg6[%swap3A_217], %swap3A_220 {strides = array<i32>} : memref<512xf32, #tpu.memory_space<vmem>>, vector<16xf32>,
    %get3A_221 = arith.constant 208 : index
    %get3A_222 = tpu.vector_load %arg6[%get3A_221] {strides = array<i32>} : memref<512xf32, #tpu.memory_space<vmem>>, vector<16xf32>,
    %get3A_223 = vector.shape_cast %get3A_222 : vector<16xf32> to vector<16xf32>
    %neg3A_224 = arith.constant 0.000000e+00 : f32
    %neg3A_225 = vector.broadcast %neg3A_224 : f32 to vector<16xf32>
    %neg3A_226 = arith.subf %neg3A_225, %get3A_223 : vector<16xf32>
    %exp3A_227 = math.exp %neg3A_226 : vector<16xf32>
    %add3A_228 = arith.constant 1.000000e+00 : f32
    %add3A_229 = vector.broadcast %add3A_228 : f32 to vector<16xf32>
    %add3A_230 = arith.addf %add3A_229, %exp3A_227 : vector<16xf32>
    %div3A_231 = arith.constant 1.000000e+00 : f32
    %div3A_232 = vector.broadcast %div3A_231 : f32 to vector<16xf32>
    %div3A_233 = arith.divf %div3A_232, %add3A_230 : vector<16xf32>
    %swap3A_234 = arith.constant 208 : index
    %swap3A_235 = tpu.vector_load %arg6[%swap3A_234] {strides = array<i32>} : memref<512xf32, #tpu.memory_space<vmem>>, vector<16xf32>,
    %swap3A_236 = vector.shape_cast %swap3A_235 : vector<16xf32> to vector<16xf32>
    %swap3A_237 = vector.shape_cast %div3A_233 : vector<16xf32> to vector<16xf32>
    tpu.vector_store %arg6[%swap3A_234], %swap3A_237 {strides = array<i32>} : memref<512xf32, #tpu.memory_space<vmem>>, vector<16xf32>,
    %get3A_238 = arith.constant 224 : index
    %get3A_239 = tpu.vector_load %arg6[%get3A_238] {strides = array<i32>} : memref<512xf32, #tpu.memory_space<vmem>>, vector<16xf32>,
    %get3A_240 = vector.shape_cast %get3A_239 : vector<16xf32> to vector<16xf32>
    %neg3A_241 = arith.constant 0.000000e+00 : f32
    %neg3A_242 = vector.broadcast %neg3A_241 : f32 to vector<16xf32>
    %neg3A_243 = arith.subf %neg3A_242, %get3A_240 : vector<16xf32>
    %exp3A_244 = math.exp %neg3A_243 : vector<16xf32>
    %add3A_245 = arith.constant 1.000000e+00 : f32
    %add3A_246 = vector.broadcast %add3A_245 : f32 to vector<16xf32>
    %add3A_247 = arith.addf %add3A_246, %exp3A_244 : vector<16xf32>
    %div3A_248 = arith.constant 1.000000e+00 : f32
    %div3A_249 = vector.broadcast %div3A_248 : f32 to vector<16xf32>
    %div3A_250 = arith.divf %div3A_249, %add3A_247 : vector<16xf32>
    %swap3A_251 = arith.constant 224 : index
    %swap3A_252 = tpu.vector_load %arg6[%swap3A_251] {strides = array<i32>} : memref<512xf32, #tpu.memory_space<vmem>>, vector<16xf32>,
    %swap3A_253 = vector.shape_cast %swap3A_252 : vector<16xf32> to vector<16xf32>
    %swap3A_254 = vector.shape_cast %div3A_250 : vector<16xf32> to vector<16xf32>
    tpu.vector_store %arg6[%swap3A_251], %swap3A_254 {strides = array<i32>} : memref<512xf32, #tpu.memory_space<vmem>>, vector<16xf32>,
    %get3A_255 = arith.constant 240 : index
    %get3A_256 = tpu.vector_load %arg6[%get3A_255] {strides = array<i32>} : memref<512xf32, #tpu.memory_space<vmem>>, vector<16xf32>,
    %get3A_257 = vector.shape_cast %get3A_256 : vector<16xf32> to vector<16xf32>
    %neg3A_258 = arith.constant 0.000000e+00 : f32
    %neg3A_259 = vector.broadcast %neg3A_258 : f32 to vector<16xf32>
    %neg3A_260 = arith.subf %neg3A_259, %get3A_257 : vector<16xf32>
    %exp3A_261 = math.exp %neg3A_260 : vector<16xf32>
    %add3A_262 = arith.constant 1.000000e+00 : f32
    %add3A_263 = vector.broadcast %add3A_262 : f32 to vector<16xf32>
    %add3A_264 = arith.addf %add3A_263, %exp3A_261 : vector<16xf32>
    %div3A_265 = arith.constant 1.000000e+00 : f32
    %div3A_266 = vector.broadcast %div3A_265 : f32 to vector<16xf32>
    %div3A_267 = arith.divf %div3A_266, %add3A_264 : vector<16xf32>
    %swap3A_268 = arith.constant 240 : index
    %swap3A_269 = tpu.vector_load %arg6[%swap3A_268] {strides = array<i32>} : memref<512xf32, #tpu.memory_space<vmem>>, vector<16xf32>,
    %swap3A_270 = vector.shape_cast %swap3A_269 : vector<16xf32> to vector<16xf32>
    %swap3A_271 = vector.shape_cast %div3A_267 : vector<16xf32> to vector<16xf32>
    tpu.vector_store %arg6[%swap3A_268], %swap3A_271 {strides = array<i32>} : memref<512xf32, #tpu.memory_space<vmem>>, vector<16xf32>,
    %get3A_272 = arith.constant 256 : index
    %get3A_273 = tpu.vector_load %arg6[%get3A_272] {strides = array<i32>} : memref<512xf32, #tpu.memory_space<vmem>>, vector<16xf32>,
    %get3A_274 = vector.shape_cast %get3A_273 : vector<16xf32> to vector<16xf32>
    %neg3A_275 = arith.constant 0.000000e+00 : f32
    %neg3A_276 = vector.broadcast %neg3A_275 : f32 to vector<16xf32>
    %neg3A_277 = arith.subf %neg3A_276, %get3A_274 : vector<16xf32>
    %exp3A_278 = math.exp %neg3A_277 : vector<16xf32>
    %add3A_279 = arith.constant 1.000000e+00 : f32
    %add3A_280 = vector.broadcast %add3A_279 : f32 to vector<16xf32>
    %add3A_281 = arith.addf %add3A_280, %exp3A_278 : vector<16xf32>
    %div3A_282 = arith.constant 1.000000e+00 : f32
    %div3A_283 = vector.broadcast %div3A_282 : f32 to vector<16xf32>
    %div3A_284 = arith.divf %div3A_283, %add3A_281 : vector<16xf32>
    %swap3A_285 = arith.constant 256 : index
    %swap3A_286 = tpu.vector_load %arg6[%swap3A_285] {strides = array<i32>} : memref<512xf32, #tpu.memory_space<vmem>>, vector<16xf32>,
    %swap3A_287 = vector.shape_cast %swap3A_286 : vector<16xf32> to vector<16xf32>
    %swap3A_288 = vector.shape_cast %div3A_284 : vector<16xf32> to vector<16xf32>
    tpu.vector_store %arg6[%swap3A_285], %swap3A_288 {strides = array<i32>} : memref<512xf32, #tpu.memory_space<vmem>>, vector<16xf32>,
    %get3A_289 = arith.constant 272 : index
    %get3A_290 = tpu.vector_load %arg6[%get3A_289] {strides = array<i32>} : memref<512xf32, #tpu.memory_space<vmem>>, vector<16xf32>,
    %get3A_291 = vector.shape_cast %get3A_290 : vector<16xf32> to vector<16xf32>
    %neg3A_292 = arith.constant 0.000000e+00 : f32
    %neg3A_293 = vector.broadcast %neg3A_292 : f32 to vector<16xf32>
    %neg3A_294 = arith.subf %neg3A_293, %get3A_291 : vector<16xf32>
    %exp3A_295 = math.exp %neg3A_294 : vector<16xf32>
    %add3A_296 = arith.constant 1.000000e+00 : f32
    %add3A_297 = vector.broadcast %add3A_296 : f32 to vector<16xf32>
    %add3A_298 = arith.addf %add3A_297, %exp3A_295 : vector<16xf32>
    %div3A_299 = arith.constant 1.000000e+00 : f32
    %div3A_300 = vector.broadcast %div3A_299 : f32 to vector<16xf32>
    %div3A_301 = arith.divf %div3A_300, %add3A_298 : vector<16xf32>
    %swap3A_302 = arith.constant 272 : index
    %swap3A_303 = tpu.vector_load %arg6[%swap3A_302] {strides = array<i32>} : memref<512xf32, #tpu.memory_space<vmem>>, vector<16xf32>,
    %swap3A_304 = vector.shape_cast %swap3A_303 : vector<16xf32> to vector<16xf32>
    %swap3A_305 = vector.shape_cast %div3A_301 : vector<16xf32> to vector<16xf32>
    tpu.vector_store %arg6[%swap3A_302], %swap3A_305 {strides = array<i32>} : memref<512xf32, #tpu.memory_space<vmem>>, vector<16xf32>,
    %get3A_306 = arith.constant 288 : index
    %get3A_307 = tpu.vector_load %arg6[%get3A_306] {strides = array<i32>} : memref<512xf32, #tpu.memory_space<vmem>>, vector<16xf32>,
    %get3A_308 = vector.shape_cast %get3A_307 : vector<16xf32> to vector<16xf32>
    %neg3A_309 = arith.constant 0.000000e+00 : f32
    %neg3A_310 = vector.broadcast %neg3A_309 : f32 to vector<16xf32>
    %neg3A_311 = arith.subf %neg3A_310, %get3A_308 : vector<16xf32>
    %exp3A_312 = math.exp %neg3A_311 : vector<16xf32>
    %add3A_313 = arith.constant 1.000000e+00 : f32
    %add3A_314 = vector.broadcast %add3A_313 : f32 to vector<16xf32>
    %add3A_315 = arith.addf %add3A_314, %exp3A_312 : vector<16xf32>
    %div3A_316 = arith.constant 1.000000e+00 : f32
    %div3A_317 = vector.broadcast %div3A_316 : f32 to vector<16xf32>
    %div3A_318 = arith.divf %div3A_317, %add3A_315 : vector<16xf32>
    %swap3A_319 = arith.constant 288 : index
    %swap3A_320 = tpu.vector_load %arg6[%swap3A_319] {strides = array<i32>} : memref<512xf32, #tpu.memory_space<vmem>>, vector<16xf32>,
    %swap3A_321 = vector.shape_cast %swap3A_320 : vector<16xf32> to vector<16xf32>
    %swap3A_322 = vector.shape_cast %div3A_318 : vector<16xf32> to vector<16xf32>
    tpu.vector_store %arg6[%swap3A_319], %swap3A_322 {strides = array<i32>} : memref<512xf32, #tpu.memory_space<vmem>>, vector<16xf32>,
    %get3A_323 = arith.constant 304 : index
    %get3A_324 = tpu.vector_load %arg6[%get3A_323] {strides = array<i32>} : memref<512xf32, #tpu.memory_space<vmem>>, vector<16xf32>,
    %get3A_325 = vector.shape_cast %get3A_324 : vector<16xf32> to vector<16xf32>
    %neg3A_326 = arith.constant 0.000000e+00 : f32
    %neg3A_327 = vector.broadcast %neg3A_326 : f32 to vector<16xf32>
    %neg3A_328 = arith.subf %neg3A_327, %get3A_325 : vector<16xf32>
    %exp3A_329 = math.exp %neg3A_328 : vector<16xf32>
    %add3A_330 = arith.constant 1.000000e+00 : f32
    %add3A_331 = vector.broadcast %add3A_330 : f32 to vector<16xf32>
    %add3A_332 = arith.addf %add3A_331, %exp3A_329 : vector<16xf32>
    %div3A_333 = arith.constant 1.000000e+00 : f32
    %div3A_334 = vector.broadcast %div3A_333 : f32 to vector<16xf32>
    %div3A_335 = arith.divf %div3A_334, %add3A_332 : vector<16xf32>
    %swap3A_336 = arith.constant 304 : index
    %swap3A_337 = tpu.vector_load %arg6[%swap3A_336] {strides = array<i32>} : memref<512xf32, #tpu.memory_space<vmem>>, vector<16xf32>,
    %swap3A_338 = vector.shape_cast %swap3A_337 : vector<16xf32> to vector<16xf32>
    %swap3A_339 = vector.shape_cast %div3A_335 : vector<16xf32> to vector<16xf32>
    tpu.vector_store %arg6[%swap3A_336], %swap3A_339 {strides = array<i32>} : memref<512xf32, #tpu.memory_space<vmem>>, vector<16xf32>,
    %get3A_340 = arith.constant 320 : index
    %get3A_341 = tpu.vector_load %arg6[%get3A_340] {strides = array<i32>} : memref<512xf32, #tpu.memory_space<vmem>>, vector<16xf32>,
    %get3A_342 = vector.shape_cast %get3A_341 : vector<16xf32> to vector<16xf32>
    %neg3A_343 = arith.constant 0.000000e+00 : f32
    %neg3A_344 = vector.broadcast %neg3A_343 : f32 to vector<16xf32>
    %neg3A_345 = arith.subf %neg3A_344, %get3A_342 : vector<16xf32>
    %exp3A_346 = math.exp %neg3A_345 : vector<16xf32>
    %add3A_347 = arith.constant 1.000000e+00 : f32
    %add3A_348 = vector.broadcast %add3A_347 : f32 to vector<16xf32>
    %add3A_349 = arith.addf %add3A_348, %exp3A_346 : vector<16xf32>
    %div3A_350 = arith.constant 1.000000e+00 : f32
    %div3A_351 = vector.broadcast %div3A_350 : f32 to vector<16xf32>
    %div3A_352 = arith.divf %div3A_351, %add3A_349 : vector<16xf32>
    %swap3A_353 = arith.constant 320 : index
    %swap3A_354 = tpu.vector_load %arg6[%swap3A_353] {strides = array<i32>} : memref<512xf32, #tpu.memory_space<vmem>>, vector<16xf32>,
    %swap3A_355 = vector.shape_cast %swap3A_354 : vector<16xf32> to vector<16xf32>
    %swap3A_356 = vector.shape_cast %div3A_352 : vector<16xf32> to vector<16xf32>
    tpu.vector_store %arg6[%swap3A_353], %swap3A_356 {strides = array<i32>} : memref<512xf32, #tpu.memory_space<vmem>>, vector<16xf32>,
    %get3A_357 = arith.constant 336 : index
    %get3A_358 = tpu.vector_load %arg6[%get3A_357] {strides = array<i32>} : memref<512xf32, #tpu.memory_space<vmem>>, vector<16xf32>,
    %get3A_359 = vector.shape_cast %get3A_358 : vector<16xf32> to vector<16xf32>
    %neg3A_360 = arith.constant 0.000000e+00 : f32
    %neg3A_361 = vector.broadcast %neg3A_360 : f32 to vector<16xf32>
    %neg3A_362 = arith.subf %neg3A_361, %get3A_359 : vector<16xf32>
    %exp3A_363 = math.exp %neg3A_362 : vector<16xf32>
    %add3A_364 = arith.constant 1.000000e+00 : f32
    %add3A_365 = vector.broadcast %add3A_364 : f32 to vector<16xf32>
    %add3A_366 = arith.addf %add3A_365, %exp3A_363 : vector<16xf32>
    %div3A_367 = arith.constant 1.000000e+00 : f32
    %div3A_368 = vector.broadcast %div3A_367 : f32 to vector<16xf32>
    %div3A_369 = arith.divf %div3A_368, %add3A_366 : vector<16xf32>
    %swap3A_370 = arith.constant 336 : index
    %swap3A_371 = tpu.vector_load %arg6[%swap3A_370] {strides = array<i32>} : memref<512xf32, #tpu.memory_space<vmem>>, vector<16xf32>,
    %swap3A_372 = vector.shape_cast %swap3A_371 : vector<16xf32> to vector<16xf32>
    %swap3A_373 = vector.shape_cast %div3A_369 : vector<16xf32> to vector<16xf32>
    tpu.vector_store %arg6[%swap3A_370], %swap3A_373 {strides = array<i32>} : memref<512xf32, #tpu.memory_space<vmem>>, vector<16xf32>,
    %get3A_374 = arith.constant 352 : index
    %get3A_375 = tpu.vector_load %arg6[%get3A_374] {strides = array<i32>} : memref<512xf32, #tpu.memory_space<vmem>>, vector<16xf32>,
    %get3A_376 = vector.shape_cast %get3A_375 : vector<16xf32> to vector<16xf32>
    %neg3A_377 = arith.constant 0.000000e+00 : f32
    %neg3A_378 = vector.broadcast %neg3A_377 : f32 to vector<16xf32>
    %neg3A_379 = arith.subf %neg3A_378, %get3A_376 : vector<16xf32>
    %exp3A_380 = math.exp %neg3A_379 : vector<16xf32>
    %add3A_381 = arith.constant 1.000000e+00 : f32
    %add3A_382 = vector.broadcast %add3A_381 : f32 to vector<16xf32>
    %add3A_383 = arith.addf %add3A_382, %exp3A_380 : vector<16xf32>
    %div3A_384 = arith.constant 1.000000e+00 : f32
    %div3A_385 = vector.broadcast %div3A_384 : f32 to vector<16xf32>
    %div3A_386 = arith.divf %div3A_385, %add3A_383 : vector<16xf32>
    %swap3A_387 = arith.constant 352 : index
    %swap3A_388 = tpu.vector_load %arg6[%swap3A_387] {strides = array<i32>} : memref<512xf32, #tpu.memory_space<vmem>>, vector<16xf32>,
    %swap3A_389 = vector.shape_cast %swap3A_388 : vector<16xf32> to vector<16xf32>
    %swap3A_390 = vector.shape_cast %div3A_386 : vector<16xf32> to vector<16xf32>
    tpu.vector_store %arg6[%swap3A_387], %swap3A_390 {strides = array<i32>} : memref<512xf32, #tpu.memory_space<vmem>>, vector<16xf32>,
    %get3A_391 = arith.constant 368 : index
    %get3A_392 = tpu.vector_load %arg6[%get3A_391] {strides = array<i32>} : memref<512xf32, #tpu.memory_space<vmem>>, vector<16xf32>,
    %get3A_393 = vector.shape_cast %get3A_392 : vector<16xf32> to vector<16xf32>
    %neg3A_394 = arith.constant 0.000000e+00 : f32
    %neg3A_395 = vector.broadcast %neg3A_394 : f32 to vector<16xf32>
    %neg3A_396 = arith.subf %neg3A_395, %get3A_393 : vector<16xf32>
    %exp3A_397 = math.exp %neg3A_396 : vector<16xf32>
    %add3A_398 = arith.constant 1.000000e+00 : f32
    %add3A_399 = vector.broadcast %add3A_398 : f32 to vector<16xf32>
    %add3A_400 = arith.addf %add3A_399, %exp3A_397 : vector<16xf32>
    %div3A_401 = arith.constant 1.000000e+00 : f32
    %div3A_402 = vector.broadcast %div3A_401 : f32 to vector<16xf32>
    %div3A_403 = arith.divf %div3A_402, %add3A_400 : vector<16xf32>
    %swap3A_404 = arith.constant 368 : index
    %swap3A_405 = tpu.vector_load %arg6[%swap3A_404] {strides = array<i32>} : memref<512xf32, #tpu.memory_space<vmem>>, vector<16xf32>,
    %swap3A_406 = vector.shape_cast %swap3A_405 : vector<16xf32> to vector<16xf32>
    %swap3A_407 = vector.shape_cast %div3A_403 : vector<16xf32> to vector<16xf32>
    tpu.vector_store %arg6[%swap3A_404], %swap3A_407 {strides = array<i32>} : memref<512xf32, #tpu.memory_space<vmem>>, vector<16xf32>,
    %get3A_408 = arith.constant 384 : index
    %get3A_409 = tpu.vector_load %arg6[%get3A_408] {strides = array<i32>} : memref<512xf32, #tpu.memory_space<vmem>>, vector<16xf32>,
    %get3A_410 = vector.shape_cast %get3A_409 : vector<16xf32> to vector<16xf32>
    %neg3A_411 = arith.constant 0.000000e+00 : f32
    %neg3A_412 = vector.broadcast %neg3A_411 : f32 to vector<16xf32>
    %neg3A_413 = arith.subf %neg3A_412, %get3A_410 : vector<16xf32>
    %exp3A_414 = math.exp %neg3A_413 : vector<16xf32>
    %add3A_415 = arith.constant 1.000000e+00 : f32
    %add3A_416 = vector.broadcast %add3A_415 : f32 to vector<16xf32>
    %add3A_417 = arith.addf %add3A_416, %exp3A_414 : vector<16xf32>
    %div3A_418 = arith.constant 1.000000e+00 : f32
    %div3A_419 = vector.broadcast %div3A_418 : f32 to vector<16xf32>
    %div3A_420 = arith.divf %div3A_419, %add3A_417 : vector<16xf32>
    %swap3A_421 = arith.constant 384 : index
    %swap3A_422 = tpu.vector_load %arg6[%swap3A_421] {strides = array<i32>} : memref<512xf32, #tpu.memory_space<vmem>>, vector<16xf32>,
    %swap3A_423 = vector.shape_cast %swap3A_422 : vector<16xf32> to vector<16xf32>
    %swap3A_424 = vector.shape_cast %div3A_420 : vector<16xf32> to vector<16xf32>
    tpu.vector_store %arg6[%swap3A_421], %swap3A_424 {strides = array<i32>} : memref<512xf32, #tpu.memory_space<vmem>>, vector<16xf32>,
    %get3A_425 = arith.constant 400 : index
    %get3A_426 = tpu.vector_load %arg6[%get3A_425] {strides = array<i32>} : memref<512xf32, #tpu.memory_space<vmem>>, vector<16xf32>,
    %get3A_427 = vector.shape_cast %get3A_426 : vector<16xf32> to vector<16xf32>
    %neg3A_428 = arith.constant 0.000000e+00 : f32
    %neg3A_429 = vector.broadcast %neg3A_428 : f32 to vector<16xf32>
    %neg3A_430 = arith.subf %neg3A_429, %get3A_427 : vector<16xf32>
    %exp3A_431 = math.exp %neg3A_430 : vector<16xf32>
    %add3A_432 = arith.constant 1.000000e+00 : f32
    %add3A_433 = vector.broadcast %add3A_432 : f32 to vector<16xf32>
    %add3A_434 = arith.addf %add3A_433, %exp3A_431 : vector<16xf32>
    %div3A_435 = arith.constant 1.000000e+00 : f32
    %div3A_436 = vector.broadcast %div3A_435 : f32 to vector<16xf32>
    %div3A_437 = arith.divf %div3A_436, %add3A_434 : vector<16xf32>
    %swap3A_438 = arith.constant 400 : index
    %swap3A_439 = tpu.vector_load %arg6[%swap3A_438] {strides = array<i32>} : memref<512xf32, #tpu.memory_space<vmem>>, vector<16xf32>,
    %swap3A_440 = vector.shape_cast %swap3A_439 : vector<16xf32> to vector<16xf32>
    %swap3A_441 = vector.shape_cast %div3A_437 : vector<16xf32> to vector<16xf32>
    tpu.vector_store %arg6[%swap3A_438], %swap3A_441 {strides = array<i32>} : memref<512xf32, #tpu.memory_space<vmem>>, vector<16xf32>,
    %get3A_442 = arith.constant 416 : index
    %get3A_443 = tpu.vector_load %arg6[%get3A_442] {strides = array<i32>} : memref<512xf32, #tpu.memory_space<vmem>>, vector<16xf32>,
    %get3A_444 = vector.shape_cast %get3A_443 : vector<16xf32> to vector<16xf32>
    %neg3A_445 = arith.constant 0.000000e+00 : f32
    %neg3A_446 = vector.broadcast %neg3A_445 : f32 to vector<16xf32>
    %neg3A_447 = arith.subf %neg3A_446, %get3A_444 : vector<16xf32>
    %exp3A_448 = math.exp %neg3A_447 : vector<16xf32>
    %add3A_449 = arith.constant 1.000000e+00 : f32
    %add3A_450 = vector.broadcast %add3A_449 : f32 to vector<16xf32>
    %add3A_451 = arith.addf %add3A_450, %exp3A_448 : vector<16xf32>
    %div3A_452 = arith.constant 1.000000e+00 : f32
    %div3A_453 = vector.broadcast %div3A_452 : f32 to vector<16xf32>
    %div3A_454 = arith.divf %div3A_453, %add3A_451 : vector<16xf32>
    %swap3A_455 = arith.constant 416 : index
    %swap3A_456 = tpu.vector_load %arg6[%swap3A_455] {strides = array<i32>} : memref<512xf32, #tpu.memory_space<vmem>>, vector<16xf32>,
    %swap3A_457 = vector.shape_cast %swap3A_456 : vector<16xf32> to vector<16xf32>
    %swap3A_458 = vector.shape_cast %div3A_454 : vector<16xf32> to vector<16xf32>
    tpu.vector_store %arg6[%swap3A_455], %swap3A_458 {strides = array<i32>} : memref<512xf32, #tpu.memory_space<vmem>>, vector<16xf32>,
    %get3A_459 = arith.constant 432 : index
    %get3A_460 = tpu.vector_load %arg6[%get3A_459] {strides = array<i32>} : memref<512xf32, #tpu.memory_space<vmem>>, vector<16xf32>,
    %get3A_461 = vector.shape_cast %get3A_460 : vector<16xf32> to vector<16xf32>
    %neg3A_462 = arith.constant 0.000000e+00 : f32
    %neg3A_463 = vector.broadcast %neg3A_462 : f32 to vector<16xf32>
    %neg3A_464 = arith.subf %neg3A_463, %get3A_461 : vector<16xf32>
    %exp3A_465 = math.exp %neg3A_464 : vector<16xf32>
    %add3A_466 = arith.constant 1.000000e+00 : f32
    %add3A_467 = vector.broadcast %add3A_466 : f32 to vector<16xf32>
    %add3A_468 = arith.addf %add3A_467, %exp3A_465 : vector<16xf32>
    %div3A_469 = arith.constant 1.000000e+00 : f32
    %div3A_470 = vector.broadcast %div3A_469 : f32 to vector<16xf32>
    %div3A_471 = arith.divf %div3A_470, %add3A_468 : vector<16xf32>
    %swap3A_472 = arith.constant 432 : index
    %swap3A_473 = tpu.vector_load %arg6[%swap3A_472] {strides = array<i32>} : memref<512xf32, #tpu.memory_space<vmem>>, vector<16xf32>,
    %swap3A_474 = vector.shape_cast %swap3A_473 : vector<16xf32> to vector<16xf32>
    %swap3A_475 = vector.shape_cast %div3A_471 : vector<16xf32> to vector<16xf32>
    tpu.vector_store %arg6[%swap3A_472], %swap3A_475 {strides = array<i32>} : memref<512xf32, #tpu.memory_space<vmem>>, vector<16xf32>,
    %get3A_476 = arith.constant 448 : index
    %get3A_477 = tpu.vector_load %arg6[%get3A_476] {strides = array<i32>} : memref<512xf32, #tpu.memory_space<vmem>>, vector<16xf32>,
    %get3A_478 = vector.shape_cast %get3A_477 : vector<16xf32> to vector<16xf32>
    %neg3A_479 = arith.constant 0.000000e+00 : f32
    %neg3A_480 = vector.broadcast %neg3A_479 : f32 to vector<16xf32>
    %neg3A_481 = arith.subf %neg3A_480, %get3A_478 : vector<16xf32>
    %exp3A_482 = math.exp %neg3A_481 : vector<16xf32>
    %add3A_483 = arith.constant 1.000000e+00 : f32
    %add3A_484 = vector.broadcast %add3A_483 : f32 to vector<16xf32>
    %add3A_485 = arith.addf %add3A_484, %exp3A_482 : vector<16xf32>
    %div3A_486 = arith.constant 1.000000e+00 : f32
    %div3A_487 = vector.broadcast %div3A_486 : f32 to vector<16xf32>
    %div3A_488 = arith.divf %div3A_487, %add3A_485 : vector<16xf32>
    %swap3A_489 = arith.constant 448 : index
    %swap3A_490 = tpu.vector_load %arg6[%swap3A_489] {strides = array<i32>} : memref<512xf32, #tpu.memory_space<vmem>>, vector<16xf32>,
    %swap3A_491 = vector.shape_cast %swap3A_490 : vector<16xf32> to vector<16xf32>
    %swap3A_492 = vector.shape_cast %div3A_488 : vector<16xf32> to vector<16xf32>
    tpu.vector_store %arg6[%swap3A_489], %swap3A_492 {strides = array<i32>} : memref<512xf32, #tpu.memory_space<vmem>>, vector<16xf32>,
    %get3A_493 = arith.constant 464 : index
    %get3A_494 = tpu.vector_load %arg6[%get3A_493] {strides = array<i32>} : memref<512xf32, #tpu.memory_space<vmem>>, vector<16xf32>,
    %get3A_495 = vector.shape_cast %get3A_494 : vector<16xf32> to vector<16xf32>
    %neg3A_496 = arith.constant 0.000000e+00 : f32
    %neg3A_497 = vector.broadcast %neg3A_496 : f32 to vector<16xf32>
    %neg3A_498 = arith.subf %neg3A_497, %get3A_495 : vector<16xf32>
    %exp3A_499 = math.exp %neg3A_498 : vector<16xf32>
    %add3A_500 = arith.constant 1.000000e+00 : f32
    %add3A_501 = vector.broadcast %add3A_500 : f32 to vector<16xf32>
    %add3A_502 = arith.addf %add3A_501, %exp3A_499 : vector<16xf32>
    %div3A_503 = arith.constant 1.000000e+00 : f32
    %div3A_504 = vector.broadcast %div3A_503 : f32 to vector<16xf32>
    %div3A_505 = arith.divf %div3A_504, %add3A_502 : vector<16xf32>
    %swap3A_506 = arith.constant 464 : index
    %swap3A_507 = tpu.vector_load %arg6[%swap3A_506] {strides = array<i32>} : memref<512xf32, #tpu.memory_space<vmem>>, vector<16xf32>,
    %swap3A_508 = vector.shape_cast %swap3A_507 : vector<16xf32> to vector<16xf32>
    %swap3A_509 = vector.shape_cast %div3A_505 : vector<16xf32> to vector<16xf32>
    tpu.vector_store %arg6[%swap3A_506], %swap3A_509 {strides = array<i32>} : memref<512xf32, #tpu.memory_space<vmem>>, vector<16xf32>,
    %get3A_510 = arith.constant 480 : index
    %get3A_511 = tpu.vector_load %arg6[%get3A_510] {strides = array<i32>} : memref<512xf32, #tpu.memory_space<vmem>>, vector<16xf32>,
    %get3A_512 = vector.shape_cast %get3A_511 : vector<16xf32> to vector<16xf32>
    %neg3A_513 = arith.constant 0.000000e+00 : f32
    %neg3A_514 = vector.broadcast %neg3A_513 : f32 to vector<16xf32>
    %neg3A_515 = arith.subf %neg3A_514, %get3A_512 : vector<16xf32>
    %exp3A_516 = math.exp %neg3A_515 : vector<16xf32>
    %add3A_517 = arith.constant 1.000000e+00 : f32
    %add3A_518 = vector.broadcast %add3A_517 : f32 to vector<16xf32>
    %add3A_519 = arith.addf %add3A_518, %exp3A_516 : vector<16xf32>
    %div3A_520 = arith.constant 1.000000e+00 : f32
    %div3A_521 = vector.broadcast %div3A_520 : f32 to vector<16xf32>
    %div3A_522 = arith.divf %div3A_521, %add3A_519 : vector<16xf32>
    %swap3A_523 = arith.constant 480 : index
    %swap3A_524 = tpu.vector_load %arg6[%swap3A_523] {strides = array<i32>} : memref<512xf32, #tpu.memory_space<vmem>>, vector<16xf32>,
    %swap3A_525 = vector.shape_cast %swap3A_524 : vector<16xf32> to vector<16xf32>
    %swap3A_526 = vector.shape_cast %div3A_522 : vector<16xf32> to vector<16xf32>
    tpu.vector_store %arg6[%swap3A_523], %swap3A_526 {strides = array<i32>} : memref<512xf32, #tpu.memory_space<vmem>>, vector<16xf32>,
    %get3A_527 = arith.constant 496 : index
    %get3A_528 = tpu.vector_load %arg6[%get3A_527] {strides = array<i32>} : memref<512xf32, #tpu.memory_space<vmem>>, vector<16xf32>,
    %get3A_529 = vector.shape_cast %get3A_528 : vector<16xf32> to vector<16xf32>
    %neg3A_530 = arith.constant 0.000000e+00 : f32
    %neg3A_531 = vector.broadcast %neg3A_530 : f32 to vector<16xf32>
    %neg3A_532 = arith.subf %neg3A_531, %get3A_529 : vector<16xf32>
    %exp3A_533 = math.exp %neg3A_532 : vector<16xf32>
    %add3A_534 = arith.constant 1.000000e+00 : f32
    %add3A_535 = vector.broadcast %add3A_534 : f32 to vector<16xf32>
    %add3A_536 = arith.addf %add3A_535, %exp3A_533 : vector<16xf32>
    %div3A_537 = arith.constant 1.000000e+00 : f32
    %div3A_538 = vector.broadcast %div3A_537 : f32 to vector<16xf32>
    %div3A_539 = arith.divf %div3A_538, %add3A_536 : vector<16xf32>
    %swap3A_540 = arith.constant 496 : index
    %swap3A_541 = tpu.vector_load %arg6[%swap3A_540] {strides = array<i32>} : memref<512xf32, #tpu.memory_space<vmem>>, vector<16xf32>,
    %swap3A_542 = vector.shape_cast %swap3A_541 : vector<16xf32> to vector<16xf32>
    %swap3A_543 = vector.shape_cast %div3A_539 : vector<16xf32> to vector<16xf32>
    tpu.vector_store %arg6[%swap3A_540], %swap3A_543 {strides = array<i32>} : memref<512xf32, #tpu.memory_space<vmem>>, vector<16xf32>,
    "tpu.region"() ({
      %run_scoped3A = tpu.sem_alloc : memref<!tpu.dma_semaphore, #tpu.memory_space<semaphore_mem>>
      %dma_start3A_544 = tpu.memref_slice %arg4[%mul3A_2] : memref<16384xf32, #tpu.memory_space<hbm>> -> memref<512xf32, #tpu.memory_space<hbm>>
      %dma_start3A_545 = tpu.memref_slice %arg4[%mul3A_2] : memref<16384xf32, #tpu.memory_space<hbm>> -> memref<512xf32, #tpu.memory_space<hbm>>
      tpu.enqueue_dma source(%arg6 : memref<512xf32, #tpu.memory_space<vmem>>) target(%dma_start3A_545 : memref<512xf32, #tpu.memory_space<hbm>>) target_semaphore(%run_scoped3A : memref<!tpu.dma_semaphore, #tpu.memory_space<semaphore_mem>>)
      %dma_wait3A_546 = tpu.memref_slice %arg4[%mul3A_2] : memref<16384xf32, #tpu.memory_space<hbm>> -> memref<512xf32, #tpu.memory_space<hbm>>
      %dma_wait3A_547 = tpu.memref_slice %arg4[%mul3A_2] : memref<16384xf32, #tpu.memory_space<hbm>> -> memref<512xf32, #tpu.memory_space<hbm>>
      tpu.wait_dma2 semaphore(%run_scoped3A : memref<!tpu.dma_semaphore, #tpu.memory_space<semaphore_mem>>) src(%arg6 : memref<512xf32, #tpu.memory_space<vmem>>) dst(%dma_wait3A_547 : memref<512xf32, #tpu.memory_space<hbm>>)
      tpu.yield
    }) : () -> ()
    return
  }
}

module attributes {stable_mosaic.version = 14 : i64} {
  func.func @_mv_body(%arg0: i32, %arg1: memref<64x40960xf32, #tpu.memory_space<vmem>>, %arg2: memref<64x1xf32, #tpu.memory_space<vmem>>, %arg3: memref<1xf32, #tpu.memory_space<smem>>, %arg4: memref<40960xf32, #tpu.memory_space<vmem>>) attributes {dimension_semantics = [#tpu.dimension_semantics<arbitrary>], iteration_bounds = array<i64: 25>, scalar_prefetch = 0 : i64, scratch_operands = 0 : i64, tpu.core_type = #tpu.core_type<tc>, window_params = [{transform_indices = @transform_0, window_bounds = array<i64: 64, 40960>}, {pipeline_mode = #tpu.pipeline_mode<synchronous>, transform_indices = @transform_1, window_bounds = array<i64: 64, 1>}, {transform_indices = @transform_2, window_bounds = array<i64: 1>}, {transform_indices = @transform_3, window_bounds = array<i64: 40960>}]} {
    %get3A = arith.constant 0 : index
    %get3A_0 = arith.constant 0 : index
    %get3A_1 = vector.load %arg1[%get3A, %get3A_0] : memref<64x40960xf32, #tpu.memory_space<vmem>>, vector<64x40960xf32>
    %get3A_2 = arith.constant 0 : index
    %get3A_3 = arith.constant 0 : index
    %get3A_4 = vector.load %arg2[%get3A_2, %get3A_3] : memref<64x1xf32, #tpu.memory_space<vmem>>, vector<64x1xf32>
    %mul3A = vector.broadcast %get3A_4 : vector<64x1xf32> to vector<64x40960xf32>
    %mul3A_5 = arith.mulf %get3A_1, %mul3A : vector<64x40960xf32>
    %reduce_sum3A = arith.constant dense<0.000000e+00> : vector<40960xf32>
    %reduce_sum3A_6 = vector.multi_reduction <add>, %mul3A_5, %reduce_sum3A [0] : vector<64x40960xf32> to vector<40960xf32>
    %get3A_7 = arith.constant 0 : index
    %get3A_8 = memref.load %arg3[%get3A_7] : memref<1xf32, #tpu.memory_space<smem>>
    %add3A = vector.broadcast %get3A_8 : f32 to vector<40960xf32>
    %add3A_9 = arith.addf %reduce_sum3A_6, %add3A : vector<40960xf32>
    %swap3A = arith.constant 0 : index
    %swap3A_10 = vector.load %arg4[%swap3A] : memref<40960xf32, #tpu.memory_space<vmem>>, vector<40960xf32>
    tpu.vector_store %arg4[%swap3A], %add3A_9 {strides = array<i32>} : memref<40960xf32, #tpu.memory_space<vmem>>, vector<40960xf32>,
    return
  }
  func.func @transform_0(%arg0: i32) -> (i32, i32) {
    %c0_i32 = arith.constant 0 : i32
    %c0_i32_0 = arith.constant 0 : i32
    return %c0_i32, %arg0 : i32, i32
  }
  func.func @transform_1(%arg0: i32) -> (i32, i32) {
    %c0_i32 = arith.constant 0 : i32
    %c0_i32_0 = arith.constant 0 : i32
    %c0_i32_1 = arith.constant 0 : i32
    return %c0_i32, %c0_i32_0 : i32, i32
  }
  func.func @transform_2(%arg0: i32) -> i32 {
    %c0_i32 = arith.constant 0 : i32
    %c0_i32_0 = arith.constant 0 : i32
    return %c0_i32 : i32
  }
  func.func @transform_3(%arg0: i32) -> i32 {
    %c0_i32 = arith.constant 0 : i32
    return %arg0 : i32
  }
}

</mosaic_0001>

<sc_bundles>
// kernel: kernel.4.cloned.1.call-start
scs
__scs_entry_jumppad:
0x0: {  	(pc) =	sbr.rel $0x88, $3  }
0x1: {  	(tag) =	ssettag $0x0;
	lr =	simm.s32 $0x1  }
0x2: {  	[smem:$0x3F9D] =	sst lr;
	_ =	strace $0xD0000000  }
0x3: {  	_ = 	snop  }
0x4: {  	_ = 	snop  }
0x5: {  	_ = 	snop  }
0x6: {  	_ = 	snop  }
0x7: {  	_ = 	snop  }
__scs_overlays_trampoline_lowered:
0x8: {  	[smem:$0x3FAC] =	sst s0  }
0x9: {  	[smem:$0x3FAD] =	sst s1  }
0xa: {  	[smem:$0x3FAE] =	sst s2  }
0xb: {  	[smem:$0x3FAF] =	sst s3  }
0xc: {  	[smem:$0x3FB0] =	sst s4  }
0xd: {  	[smem:$0x3FB1] =	sst s5  }
0xe: {  	[smem:$0x3FB2] =	sst s6  }
0xf: {  	[smem:$0x3FB3] =	sst s7  }
0x10: {  	[smem:$0x3FB4] =	sst s8  }
0x11: {  	[smem:$0x3FB5] =	sst s9;
	s0 =	simm.s32 @!p0 $0x0  }
0x12: {  	s1 =	sld [smem:$0x3F9B];
	s0 =	simm.s32 @p0 $0x1  }
0x13: {  	[smem:$0x3FB6] =	sst s0;
	s0 =	simm.s32 @!p1 $0x0  }
0x14: {  	s2 =	sld [smem:$0x3F9A];
	s0 =	simm.s32 @p1 $0x1  }
0x15: {  	[smem:$0x3FB7] =	sst s0;
	s0 =	simm.s32 @!p2 $0x0  }
0x16: {  	s3 =	sld [smem:$0x3FDB];
	s0 =	simm.s32 @p2 $0x1  }
0x17: {  	s4 =	simm.s32 $0x1BF5;
	[smem:$0x3FB9] =	sst s0  }
0x18: {  	s0 =	sld [smem:$0x3F9C];
	_ =	swait.ge [sflag:s4], $0x0  }
0x19: {  	s7 =	sld [smem:$0x3F9D]  }
0x1a: {  	s8 =	sadd.s32 $0xFFFFE003, lr  }
0x1b: {  	s9 =	sadd.s32 $0xFFFFFEF7, lr;
	s5 =	simm.s32 $0xFFFFFFFF;
	p2 =	slt.u32 s8, $0xFFFFF086  }
0x1c: {  	p1 =	slt.u32 s9, $0xF7A;
	s5 =	simm.s32 @!p2 $0x0  }
0x1d: {  	s5 =	simm.s32 @p1 $0x1;
	p0 =	seq.s32 s7, s2  }
0x1e: {  	s7 =	smul.u32 @!p0 $0xF7A, s2;
	p2 =	seq.s32 @!p0 s5, $0x0  }
0x1f: {  	s9 =	smul.u32 $0xF7A, s1;
	s8 =	simm.s32 @!p0 $0x1BF5;
	p2 =	por !p2, p0  }
0x20: {  	[sflag:s8] =	ssyncset.s32 @!p0 $0xFFFFF086;
	s6 =	sadd.s32 @!p0 s3, s7;
	s7 =	simm.s32 @!p0 $0x108  }
0x21: {  	s3 =	sadd.s32 s3, s9;
	s6 =	sadd.s32 @!p0 $0x88, s6;
	s7 =	simm.s32 @p2 $0x1082  }
0x22: {  	[simem:s7], [sflag:s8] =	dma.local @!p0 [hbm:s6], $0xF7A  }
0x23: {  	s9 =	sor.u32 $0xD0000000, s2;
	s6 =	simm.s32 $0x108;
	_ =	swait.ge @!p0 [sflag:s8], $0x0  }
0x24: {  	s3 =	sadd.s32 $0x88, s3;
	s6 =	simm.s32 @!p1 $0x1082;
	[sflag:s4] =	ssyncset.s32 $0xFFFFF086  }
0x25: {  	[simem:s6], [sflag:s4] =	dma.local [hbm:s3], $0xF7A  }
0x26: {  	[smem:$0x3F9D] =	sst s1;
	(tag) =	ssettag s2;
	_ =	strace s9  }
0x27: {  	s1 =	sld [smem:$0x3FAD]  }
0x28: {  	s2 =	sld [smem:$0x3FAE]  }
0x29: {  	s4 =	sld [smem:$0x3FB0]  }
0x2a: {  	p0 =	seq.s32 s5, $0x0;
	s5 =	sld [smem:$0x3FB1]  }
0x2b: {  	s6 =	sld [smem:$0x3FB2]  }
0x2c: {  	s7 =	sld [smem:$0x3FB3]  }
0x2d: {  	s3 =	simm.s32 $0x108;
	s8 =	sld [smem:$0x3FB4]  }
0x2e: {  	s3 =	simm.s32 @!p0 $0x1082;
	s9 =	sld [smem:$0x3FB5]  }
0x2f: {  	lr =	sadd.s32 s0, s3;
	s0 =	sld [smem:$0x3FAC]  }
0x30: {  	s3 =	sld [smem:$0x3FAF]  }
0x31: {  	[smem:$0x3FB8] =	sst s10  }
0x32: {  	s10 =	sld [smem:$0x3FB6];
	_ =	sdelay $0x3  }
0x33: {  	p0 =	seq.s32 s10, $0x1;
	s10 =	sld [smem:$0x3FB8];
	_ =	sdelay $0x3  }
0x34: {  	[smem:$0x3FB8] =	sst s10  }
0x35: {  	s10 =	sld [smem:$0x3FB7];
	_ =	sdelay $0x3  }
0x36: {  	p1 =	seq.s32 s10, $0x1;
	s10 =	sld [smem:$0x3FB8];
	_ =	sdelay $0x3  }
0x37: {  	[smem:$0x3FB8] =	sst s10  }
0x38: {  	s10 =	sld [smem:$0x3FB9]  }
0x39: {  	_ = 	snop;
	(pc) =	sbr.ind lr, $3  }
0x3a: {  	_ = 	snop  }
0x3b: {  	_ = 	snop  }
0x3c: {  	p2 =	seq.s32 s10, $0x1;
	s10 =	sld [smem:$0x3FB8]  }
0x3d: {  	_ =	shalt  }
0x3e: {  	_ =	shalt  }
0x3f: {  	_ =	shalt  }
0x40: {  	_ =	shalt  }
0x41: {  	_ =	shalt  }
0x42: {  	_ =	shalt  }
0x43: {  	_ =	shalt  }
0x44: {  	_ =	shalt  }
0x45: {  	_ =	shalt  }
0x46: {  	_ =	shalt  }
0x47: {  	_ =	shalt  }
0x48: {  	_ =	shalt  }
0x49: {  	_ =	shalt  }
0x4a: {  	_ =	shalt  }
0x4b: {  	_ =	shalt  }
0x4c: {  	_ =	shalt  }
0x4d: {  	_ =	shalt  }
0x4e: {  	_ =	shalt  }
0x4f: {  	_ =	shalt  }
0x50: {  	_ =	shalt  }
0x51: {  	_ =	shalt  }
0x52: {  	_ =	shalt  }
0x53: {  	_ =	shalt  }
0x54: {  	_ =	shalt  }
0x55: {  	_ =	shalt  }
0x56: {  	_ =	shalt  }
0x57: {  	_ =	shalt  }
0x58: {  	_ =	shalt  }
0x59: {  	_ =	shalt  }
0x5a: {  	_ =	shalt  }
0x5b: {  	_ =	shalt  }
0x5c: {  	_ =	shalt  }
0x5d: {  	_ =	shalt  }
0x5e: {  	_ =	shalt  }
0x5f: {  	_ =	shalt  }
0x60: {  	_ =	shalt  }
0x61: {  	_ =	shalt  }
0x62: {  	_ =	shalt  }
0x63: {  	_ =	shalt  }
0x64: {  	_ =	shalt  }
0x65: {  	_ =	shalt  }
0x66: {  	_ =	shalt  }
0x67: {  	_ =	shalt  }
0x68: {  	_ =	shalt  }
0x69: {  	_ =	shalt  }
0x6a: {  	_ =	shalt  }
0x6b: {  	_ =	shalt  }
0x6c: {  	_ =	shalt  }
0x6d: {  	_ =	shalt  }
0x6e: {  	_ =	shalt  }
0x6f: {  	_ =	shalt  }
0x70: {  	_ =	shalt  }
0x71: {  	_ =	shalt  }
0x72: {  	_ =	shalt  }
0x73: {  	_ =	shalt  }
0x74: {  	_ =	shalt  }
0x75: {  	_ =	shalt  }
0x76: {  	_ =	shalt  }
0x77: {  	_ =	shalt  }
0x78: {  	_ =	shalt  }
0x79: {  	_ =	shalt  }
0x7a: {  	_ =	shalt  }
0x7b: {  	_ =	shalt  }
0x7c: {  	_ =	shalt  }
0x7d: {  	_ =	shalt  }
0x7e: {  	_ =	shalt  }
0x7f: {  	_ =	shalt  }
0x80: {  	_ =	shalt  }
0x81: {  	_ =	shalt  }
0x82: {  	_ =	shalt  }
0x83: {  	_ =	shalt  }
0x84: {  	_ =	shalt  }
0x85: {  	_ =	shalt  }
0x86: {  	_ =	shalt  }
0x87: {  	_ =	shalt  }
.Lfunc_end0:
.L_simem_size_0:
called_computation_lowered:
.L_overlay_start_0:
0x88: {  	s2 =	sld [smem:$0x3FD9]  }
0x89: {  	s3 =	sld [smem:$0x3FFE];
	_ =	sdelay $0x1  }
0x8a: {  	s1 =	srdreg.scid  }
0x8b: {  	s0 =	sand.u32 $0x1, s1  }
0x8c: {  	s17 =	sshll.u32 s0, $0xA;
	s2 =	sadd.s32 s3, s2  }
0x8d: {  	s2 =	sadd.s32 s2, s17  }
0x8e: {  	[smem:$0x3FC4] =	sst s2  }
0x8f: {  	_ = 	snop  }
0x90: {  	s2 =	sld [smem:$0x3FD0];
	(tm) =	ssettm $0x1  }
0x91: {  	s18 =	sld [smem:$0x3FFB];
	_ =	sdelay $0x3  }
0x92: {  	_ =	strace s18  }
0x93: {  	s3 =	sld [smem:$0x3FFC];
	_ =	sdelay $0x3  }
0x94: {  	_ =	strace s3  }
0x95: {  	s3 =	sld [smem:$0x3FFD];
	_ =	sdelay $0x3  }
0x96: {  	_ =	strace s3  }
0x97: {  	_ =	strace $0x8FFFFFFF  }
0x98: {  	s19 =	sld [smem:$0x3FDB];
	_ =	sdelay $0x1  }
0x99: {  	s4 =	simm.s32 $_scs_section_size  }
0x9a: {  	s5 =	simm.s32 $_size__tile_overlayer_lowered;
	s6 =	simm.s32 $_tile_overlayer_lowered  }
0x9b: {  	s22 =	simm.s32 $0x1BFF;
	s21 =	sshll.u32 s6, $0x1;
	s3 =	sadd.s32 s4, s19  }
0x9c: {  	s7 =	simm.s32 $0x0;
	s20 =	sshll.u32 s5, $0x1;
	s5 =	sadd.s32 s21, s3  }
0x9d: {  	[timem:s7], [sflag:s22] =	dma.local [hbm:s5], s20  }
0x9e: {  	_ =	swait.ge [sflag:s22], s20  }
0x9f: {  	s4 =	ssub.s32 $0x0, s20;
	[sflag:s22] =	ssyncset.done $0x0  }
0xa0: {  	[sflag:s22] =	ssyncadd.s32 s4;
	_ =	sdelay $0x1  }
0xa1: {  	s23 =	simm.s32 $0x1B8B  }
0xa2: {  	_ =	swait.ge [sflag:s23], $0x1  }
0xa3: {  	[sflag:s23] =	ssyncset.done $0x0  }
0xa4: {  	s25 =	simm.s32 $0x1B8E;
	s24 =	sld [smem:$0x3FFE];
	[sflag:s23] =	ssyncadd.s32 $0xFFFFFFFF  }
0xa5: {  	s26 =	simm.s32 $execute0_lowered;
	[smem:$0x3FD2] =	sst s25  }
0xa6: {  	s5 =	sshll.u32 s26, $0x1;
	_ =	strace $0x80000046;
	[dreg:$0x1] =	wrdreg $0xFFFFFFFF  }
0xa7: {  	s28 =	simm.s32 $_size_execute0_lowered;
	s3 =	sadd.s32 s3, s5;
	[dreg:$0x0] =	wrdreg $0x0  }
0xa8: {  	s5 =	sshll.u32 s28, $0x1;
	[dreg:$0x2] =	wrdreg s3  }
0xa9: {  	[dreg:$0x3] =	wrdreg s5  }
0xaa: {  	[dreg:$0x4] =	wrdreg $0xC0  }
0xab: {  	_ =	task [dreg:s7], $0x5FFFF  }
0xac: {  	[dreg:$0x1] =	wrdreg $0xFFFFFFFF  }
0xad: {  	[dreg:$0x0] =	wrdreg $0x60  }
0xae: {  	[dreg:$0x2] =	wrdreg s24  }
0xaf: {  	[dreg:$0x3] =	wrdreg s2  }
0xb0: {  	[dreg:$0x4] =	wrdreg $0x9  }
0xb1: {  	_ =	task.clear_ibuf [dreg:s7], $0x5FFFF;
	_ =	strace $0x90000046  }
0xb2: {  	s29 =	simm.s32 $0x9;
	_ =	strace $0x80000048  }
0xb3: {  	_ =	swait.ge [sflag:s29], $0x1  }
0xb4: {  	[sflag:s29] =	ssyncadd.s32 $0xFFFFFFFF  }
0xb5: {  	_ =	strace $0x90000048  }
0xb6: {  	_ =	sfence  }
0xb7: {  	s30 =	sld [smem:$0x0];
	_ =	sdelay $0x2  }
0xb8: {  	s31 =	sshll.u32 s1, $0xD;
	s1 =	sshrl.u32 s1, $0x2  }
0xb9: {  	s3 =	sand.u32 $0x4000, s31;
	s1 =	sadd.s32 s1, s30  }
0xba: {  	s0 =	sor.u32 s3, s0;
	s1 =	sshll.u32 s1, $0x11  }
0xbb: {  	s0 =	sor.u32 s1, s0  }
0xbc: {  	s0 =	sadd.s32 $0x8F2B, s0  }
0xbd: {  	[sflag:s0] =	ssyncadd.remote.s32 $0x1  }
0xbe: {  	_ =	sfence.sel $0xFFFF  }
0xbf: {  	[dreg:$0x0] =	wrdreg $0xFFFFFFFF;
	(pc) =	sbr.abs _section_cstart, $3  }
0xc0: {  	[dreg:$0x1] =	wrdreg $0xFFFFFFFF  }
0xc1: {  	_ =	task.clear_ibuf [dreg:s7], $0x2FFFF;
	_ =	strace $0x9FFFFFFF  }
0xc2: {  	(tm) =	ssettm $0x7FFFFFFF  }
0xc3: {  	_ =	shalt  }
tec
execute0_lowered:
.L_overlay_start_1:
0x0: {  	(tag) =	ssettag $0x1  }
0x1: {  	s1 =	srdreg.scid  }
0x2: {  	s4 =	rddreg [dreg:$0x0];
	s0 =	stileid.u32;
	s10 =	sand.u32 $0x1, s1  }
0x3: {  	s5 =	rddreg [dreg:$0x1];
	s3 =	sshll.u32 s0, $0x7;
	s6 =	sshll.u32 s10, $0x6  }
0x4: {  	s2 =	simm.s32 $0x0;
	s1 =	rddreg [dreg:$0x2];
	s9 =	sor.u32 s6, s3  }
0x5: {  	[smem:$0x7FF] =	sst s2;
	s3 =	sadd.s32 s9, s4  }
0x6: {  	_ =	strace $0x80000047;
	s6 =	sadd.s32 $0x600, s3;
	s3 =	simm.s32 $0x2  }
0x7: {  	[tilespmem:s2], [sflag:$0x2] =	stream.linear.gather [hbm4b:s6+s2], $0x200, $0x38;
	[tilespmem:$0x400] =	vst v63  }
0x8: {  	_ =	swait.ge [sflag:s3], $0x200  }
0x9: {  	s8 =	simm.s32 $0x1;
	[sflag:s3] =	ssyncset.done $0x0  }
0xa: {  	s7 =	sadd.s32 $0xE00, s4;
	s4 =	simm.s32 $0x200;
	[sflag:s3] =	ssyncadd.s32 $0xFFFFFE00  }
0xb: {  	[tilespmem:s4], [sflag:$0x1] =	stream.indirect.gather [hbm4b:s7+s4], $0x1, s2, s4, $0xb8;
	[tilespmem:$0x400] =	vst v63  }
0xc: {  	_ =	swait.ge [sflag:s8], $0x200  }
0xd: {  	[sflag:s8] =	ssyncset.done $0x0  }
0xe: {  	[sflag:s8] =	ssyncadd.s32 $0xFFFFFE00  }
0xf: {  	v0 =	vld [tilespmem:$0x3F0]  }
0x10: {  	v1 =	vld [tilespmem:$0x370]  }
0x11: {  	v2 =	vld [tilespmem:$0x300]  }
0x12: {  	v4 =	vld [tilespmem:$0x250]  }
0x13: {  	v6 =	vld [tilespmem:$0x220]  }
0x14: {  	v7 =	vld [tilespmem:$0x210];
	v0 =	vsub.f32 $0.0e+00, v0  }
0x15: {  	v8 =	vld [tilespmem:$0x200];
	v1 =	vsub.f32 $0.0e+00, v1  }
0x16: {  	v5 =	vld [tilespmem:$0x240];
	v2 =	vsub.f32 $0.0e+00, v2;
	v0 =	vmul.f32 $1.442695020e+00, v0  }
0x17: {  	v9 =	vld [tilespmem:$0x3E0];
	v1 =	vmul.f32 $1.442695020e+00, v1  }
0x18: {  	(erf) = vpow2.f32 v0;
	v0 =	vmul.f32 $1.442695020e+00, v2;
	v2 =	vld [tilespmem:$0x270]  }
0x19: {  	v3 =	vld [tilespmem:$0x260];
	v10 =	vsub.f32 $0.0e+00, v7  }
0x1a: {  	v7 =	vsub.f32 $0.0e+00, v8;
	(erf) = vpow2.f32 v1;
	v1 =	vsub.f32 $0.0e+00, v6;
	v6 =	vld [tilespmem:$0x280]  }
0x1b: {  	v4 =	vsub.f32 $0.0e+00, v4;
	v8 =	vld [tilespmem:$0x2A0];
	(erf) = vpow2.f32 v0;
	v0 =	vsub.f32 $0.0e+00, v5  }
0x1c: {  	v11 =	vld [tilespmem:$0x2B0];
	v9 =	vsub.f32 $0.0e+00, v9;
	v7 =	vmul.f32 $1.442695020e+00, v7  }
0x1d: {  	v4 =	vmul.f32 $1.442695020e+00, v4;
	v5 =	vld [tilespmem:$0x290];
	v0 =	vmul.f32 $1.442695020e+00, v0;
	v2 =	vsub.f32 $0.0e+00, v2  }
0x1e: {  	v12 =	vld [tilespmem:$0x2C0];
	v3 =	vsub.f32 $0.0e+00, v3;
	v9 =	vmul.f32 $1.442695020e+00, v9;
	v1 =	vmul.f32 $1.442695020e+00, v1  }
0x1f: {  	v13 =	vld [tilespmem:$0x2D0];
	v6 =	vsub.f32 $0.0e+00, v6;
	(erf) = vpow2.f32 v0;
	v2 =	vmul.f32 $1.442695020e+00, v2  }
0x20: {  	v14 =	vld [tilespmem:$0x2E0];
	v3 =	vmul.f32 $1.442695020e+00, v3;
	(erf) = vpow2.f32 v7;
	v7 =	vsub.f32 $0.0e+00, v8  }
0x21: {  	v8 =	vld [tilespmem:$0x2F0];
	v6 =	vmul.f32 $1.442695020e+00, v6;
	(erf) = vpow2.f32 v1;
	v1 =	vsub.f32 $0.0e+00, v11  }
0x22: {  	v5 =	vsub.f32 $0.0e+00, v5;
	v0 =	vpop (erf);
	(erf) = vpow2.f32 v2;
	v7 =	vmul.f32 $1.442695020e+00, v7  }
0x23: {  	v17 =	vld [tilespmem:$0x330];
	v1 =	vmul.f32 $1.442695020e+00, v1;
	(erf) = vpow2.f32 v9;
	v9 =	vsub.f32 $0.0e+00, v12;
	v2 =	vpop (erf)  }
0x24: {  	v11 =	vld [tilespmem:$0x310];
	(erf) = vpow2.f32 v4;
	v15 =	vadd.f32 $1.000000000e+00, v2;
	v2 =	vsub.f32 $0.0e+00, v13;
	v4 =	vpop (erf)  }
0x25: {  	v12 =	vsub.f32 $0.0e+00, v14;
	v13 =	vld [tilespmem:$0x320];
	(erf) = vpow2.f32 v7;
	v7 =	vadd.f32 $1.000000000e+00, v4  }
0x26: {  	v14 =	vld [tilespmem:$0x350];
	(erf) = vpow2.f32 v1;
	v16 =	vmul.f32 $1.442695020e+00, v2;
	v2 =	vsub.f32 $0.0e+00, v8  }
0x27: {  	v5 =	vmul.f32 $1.442695020e+00, v5;
	v8 =	vld [tilespmem:$0x340];
	(erf) = vpow2.f32 v6  }
0x28: {  	s10 =	ssub.s32 $0x2, s10;
	v17 =	vsub.f32 $0.0e+00, v17;
	v12 =	vmul.f32 $1.442695020e+00, v12;
	(erf) = vrcp.f32 v7  }
0x29: {  	s11 =	sshrl.u32 s10, $0x1;
	v22 =	vsub.f32 $0.0e+00, v11;
	v4 =	vmul.f32 $1.442695020e+00, v9;
	v18 =	vpop (erf);
	(erf) = vrcp.f32 v15  }
0x2a: {  	s10 =	ssub.s32 s10, s11;
	v20 =	vld [tilespmem:$0x3B0];
	v1 =	vmul.f32 $1.442695020e+00, v2;
	v6 =	vsub.f32 $0.0e+00, v13;
	(erf) = vpow2.f32 v5;
	v2 =	vpop (erf)  }
0x2b: {  	s10 =	smax.u32 s10, $0x1;
	v11 =	vld [tilespmem:$0x360];
	v23 =	vadd.f32 $1.000000000e+00, v2;
	v2 =	vmul.f32 $1.442695020e+00, v10;
	v9 =	vpop (erf);
	v10 =	vsub.f32 $0.0e+00, v14  }
0x2c: {  	p0 =	sne.s32 s10, $0x1;
	v7 =	vld [tilespmem:$0x230];
	v22 =	vmul.f32 $1.442695020e+00, v22;
	(erf) = vpow2.f32 v3;
	v8 =	vsub.f32 $0.0e+00, v8;
	v5 =	vpop (erf)  }
.Ltmp0:
0x2d: {  	v15 =	vld [tilespmem:$0x380];
	v13 =	vadd.f32 $1.000000000e+00, v18;
	v6 =	vmul.f32 $1.442695020e+00, v6;
	(erf) = vpow2.f32 v12;
	v3 =	vpop (erf);
	(pc) =	sbr.rel @!p0 .LBB2_2-.Ltmp0, $4  }
0x2e: {  	v14 =	vld [tilespmem:$0x3A0];
	v24 =	vadd.f32 $1.000000000e+00, v9;
	(erf) = vpow2.f32 v16;
	v19 =	vadd.f32 $1.000000000e+00, v3;
	v3 =	vpop (erf)  }
0x2f: {  	v9 =	vld [tilespmem:$0x390];
	v21 =	vmul.f32 $1.442695020e+00, v10;
	(erf) = vpow2.f32 v6;
	v12 =	vadd.f32 $1.000000000e+00, v5;
	v10 =	vpop (erf)  }
0x30: {  	v16 =	vld [tilespmem:$0x3D0];
	(erf) = vrcp.f32 v23;
	v18 =	vadd.f32 $1.000000000e+00, v3;
	v3 =	vmul.f32 $1.442695020e+00, v8;
	v8 =	vpop (erf)  }
0x31: {  	s5 =	sadd.s32 s5, s9;
	s9 =	sadd.s32 $0xFFFFFFFF, s10;
	v6 =	vld [tilespmem:$0x3C0];
	v5 =	vmul.f32 $1.442695020e+00, v17;
	(erf) = vrcp.f32 v24;
	v17 =	vadd.f32 $1.000000000e+00, v8;
	v8 =	vpop (erf)  }
.LBB2_1:
0x32: {  	p0 =	sne.s32 s9, $0x1;
	s9 =	sadd.s32 $0xFFFFFFFF, s9;
	v7 =	vsub.f32 $0.0e+00, v7;
	v11 =	vsub.f32 $0.0e+00, v11;
	v23 =	vpop (erf);
	(erf) = vpow2.f32 v21  }
0x33: {  	v15 =	vsub.f32 $0.0e+00, v15;
	v20 =	vsub.f32 $0.0e+00, v20;
	[tilespmem:$0x300] =	vst v23;
	(erf) = vpow2.f32 v22;
	v21 =	vpop (erf)  }
0x34: {  	v14 =	vsub.f32 $0.0e+00, v14;
	v7 =	vmul.f32 $1.442695020e+00, v7;
	[tilespmem:$0x370] =	vst v21;
	v21 =	vpop (erf);
	(erf) = vrcp.f32 v19  }
0x35: {  	v9 =	vsub.f32 $0.0e+00, v9;
	v15 =	vmul.f32 $1.442695020e+00, v15;
	(erf) = vrcp.f32 v13;
	v13 =	vpop (erf)  }
0x36: {  	v16 =	vsub.f32 $0.0e+00, v16;
	v19 =	vmul.f32 $1.442695020e+00, v20;
	(erf) = vrcp.f32 v18;
	v18 =	vpop (erf)  }
0x37: {  	v13 =	vadd.f32 $1.000000000e+00, v13;
	v18 =	vadd.f32 $1.000000000e+00, v18;
	v20 =	vpop (erf);
	(erf) = vpow2.f32 v15  }
0x38: {  	v10 =	vadd.f32 $1.000000000e+00, v10;
	v15 =	vadd.f32 $1.000000000e+00, v20;
	v20 =	vpop (erf);
	(erf) = vpow2.f32 v19  }
0x39: {  	v19 =	vadd.f32 $1.000000000e+00, v21;
	v20 =	vadd.f32 $1.000000000e+00, v20;
	v21 =	vpop (erf);
	(erf) = vrcp.f32 v17  }
0x3a: {  	v0 =	vadd.f32 $1.000000000e+00, v0;
	v11 =	vmul.f32 $1.442695020e+00, v11;
	v17 =	vpop (erf);
	(erf) = vpow2.f32 v7  }
0x3b: {  	v7 =	vmul.f32 $1.442695020e+00, v14;
	[tilespmem:$0x200] =	vst v21;
	(erf) = vpow2.f32 v4;
	v4 =	vpop (erf)  }
0x3c: {  	v8 =	vadd.f32 $1.000000000e+00, v8;
	v4 =	vadd.f32 $1.000000000e+00, v4;
	v14 =	vpop (erf);
	(erf) = vrcp.f32 v0  }
0x3d: {  	v21 =	vsub.f32 $0.0e+00, v6;
	v0 =	vadd.f32 $1.000000000e+00, v14;
	(erf) = vrcp.f32 v12;
	v12 =	vpop (erf)  }
0x3e: {  	v9 =	vmul.f32 $1.442695020e+00, v9;
	v14 =	vpop (erf);
	(erf) = vpow2.f32 v1  }
0x3f: {  	v1 =	vmul.f32 $1.442695020e+00, v21;
	[tilespmem:$0x240] =	vst v14;
	v6 =	vpop (erf);
	(erf) = vpow2.f32 v11  }
0x40: {  	v11 =	vmul.f32 $1.442695020e+00, v16;
	[tilespmem:$0x3E0] =	vst v12;
	(erf) = vpow2.f32 v2;
	v2 =	vpop (erf)  }
0x41: {  	[tilespmem:$0x220] =	vst v17;
	v2 =	vadd.f32 $1.000000000e+00, v2;
	(erf) = vpow2.f32 v7;
	v7 =	vpop (erf)  }
0x42: {  	[tilespmem:$0x250] =	vst v6;
	v6 =	vadd.f32 $1.000000000e+00, v7;
	v7 =	vpop (erf);
	(erf) = vrcp.f32 v15  }
0x43: {  	[tilespmem:$0x2B0] =	vst v7;
	v7 =	vpop (erf);
	(erf) = vpow2.f32 v11  }
0x44: {  	v7 =	vadd.f32 $1.000000000e+00, v7;
	v11 =	vpop (erf);
	(erf) = vpow2.f32 v9  }
0x45: {  	v9 =	vadd.f32 $1.000000000e+00, v11;
	(erf) = vpow2.f32 v5;
	v5 =	vpop (erf)  }
0x46: {  	[tilespmem:$0x3F0] =	vst v5;
	v5 =	vpop (erf);
	(erf) = vpow2.f32 v3  }
0x47: {  	[tilespmem:$0x270] =	vst v5;
	v3 =	vpop (erf);
	(erf) = vrcp.f32 v20  }
0x48: {  	v3 =	vadd.f32 $1.000000000e+00, v3;
	(erf) = vrcp.f32 v18;
	v5 =	vpop (erf)  }
0x49: {  	v5 =	vadd.f32 $1.000000000e+00, v5;
	v11 =	vpop (erf);
	(erf) = vpow2.f32 v1  }
0x4a: {  	v1 =	vadd.f32 $1.000000000e+00, v11;
	(erf) = vrcp.f32 v10;
	v10 =	vpop (erf)  }
0x4b: {  	v10 =	vadd.f32 $1.000000000e+00, v10;
	v11 =	vpop (erf);
	(erf) = vrcp.f32 v4  }
0x4c: {  	[tilespmem:$0x2D0] =	vst v11;
	(erf) = vrcp.f32 v13;
	v4 =	vpop (erf)  }
0x4d: {  	v4 =	vadd.f32 $1.000000000e+00, v4;
	(erf) = vrcp.f32 v19;
	v11 =	vpop (erf)  }
0x4e: {  	v11 =	vadd.f32 $1.000000000e+00, v11;
	(erf) = vrcp.f32 v0;
	v0 =	vpop (erf)  }
0x4f: {  	v0 =	vadd.f32 $1.000000000e+00, v0;
	(erf) = vrcp.f32 v8;
	v8 =	vpop (erf)  }
0x50: {  	v8 =	vadd.f32 $1.000000000e+00, v8;
	v12 =	vpop (erf);
	(erf) = vrcp.f32 v4  }
0x51: {  	[tilespmem:$0x320] =	vst v12;
	v4 =	vpop (erf);
	(erf) = vrcp.f32 v2  }
0x52: {  	[tilespmem:$0x2E0] =	vst v4;
	(erf) = vrcp.f32 v5;
	v2 =	vpop (erf)  }
0x53: {  	v2 =	vadd.f32 $1.000000000e+00, v2;
	v4 =	vpop (erf);
	(erf) = vrcp.f32 v6  }
0x54: {  	[tilespmem:$0x2A0] =	vst v4;
	(erf) = vrcp.f32 v7;
	v4 =	vpop (erf)  }
0x55: {  	[tilespmem:$0x350] =	vst v4;
	v4 =	vpop (erf);
	(erf) = vrcp.f32 v10  }
0x56: {  	[tilespmem:$0x260] =	vst v4;
	v4 =	vpop (erf);
	(erf) = vrcp.f32 v11  }
0x57: {  	[tilespmem:$0x290] =	vst v4;
	v4 =	vpop (erf);
	(erf) = vrcp.f32 v0  }
0x58: {  	[tilespmem:$0x310] =	vst v4;
	(erf) = vrcp.f32 v1;
	v0 =	vpop (erf)  }
0x59: {  	[tilespmem:$0x280] =	vst v0;
	(erf) = vrcp.f32 v3;
	v0 =	vpop (erf)  }
0x5a: {  	[tilespmem:$0x3D0] =	vst v0;
	(erf) = vrcp.f32 v8;
	v0 =	vpop (erf)  }
0x5b: {  	[tilespmem:$0x380] =	vst v0;
	v0 =	vpop (erf);
	(erf) = vrcp.f32 v2  }
0x5c: {  	[tilespmem:$0x360] =	vst v0;
	(erf) = vrcp.f32 v9;
	v0 =	vpop (erf)  }
0x5d: {  	[tilespmem:$0x3B0] =	vst v0;
	v0 =	vpop (erf)  }
0x5e: {  	[tilespmem:$0x230] =	vst v0;
	v0 =	vpop (erf)  }
0x5f: {  	[tilespmem:$0x3A0] =	vst v0;
	v0 =	vpop (erf)  }
0x60: {  	[tilespmem:$0x390] =	vst v0;
	v0 =	vpop (erf)  }
0x61: {  	[tilespmem:$0x330] =	vst v0;
	v0 =	vpop (erf)  }
0x62: {  	[tilespmem:$0x210] =	vst v0;
	v0 =	vpop (erf)  }
0x63: {  	[tilespmem:$0x2F0] =	vst v0;
	v0 =	vpop (erf)  }
0x64: {  	[tilespmem:$0x340] =	vst v0;
	v0 =	vpop (erf)  }
0x65: {  	[tilespmem:$0x3C0] =	vst v0;
	v0 =	vpop (erf)  }
0x66: {  	[tilespmem:$0x2C0] =	vst v0  }
0x67: {  	[hbm4b:s5+s2] =	stream.linear.scatter [tilespmem:s4], [sflag:$0x2], $0x200, $0x38;
	[tilespmem:$0x400] =	vst v63  }
0x68: {  	_ =	swait.ge [sflag:s3], $0x200  }
0x69: {  	[sflag:s3] =	ssyncset.done $0x0  }
0x6a: {  	[sflag:s3] =	ssyncadd.s32 $0xFFFFFE00  }
0x6b: {  	[tilespmem:s2], [sflag:$0x2] =	stream.linear.gather [hbm4b:s6+s2], $0x200, $0x38;
	[tilespmem:$0x400] =	vst v63  }
0x6c: {  	_ =	swait.ge [sflag:s3], $0x200  }
0x6d: {  	[sflag:s3] =	ssyncset.done $0x0  }
0x6e: {  	[sflag:s3] =	ssyncadd.s32 $0xFFFFFE00  }
0x6f: {  	[tilespmem:s4], [sflag:$0x1] =	stream.indirect.gather [hbm4b:s7+s4], $0x1, s2, s4, $0xb8;
	[tilespmem:$0x400] =	vst v63  }
0x70: {  	_ =	swait.ge [sflag:s8], $0x200  }
0x71: {  	[sflag:s8] =	ssyncset.done $0x0  }
0x72: {  	[sflag:s8] =	ssyncadd.s32 $0xFFFFFE00  }
0x73: {  	v0 =	vld [tilespmem:$0x3F0]  }
0x74: {  	v1 =	vld [tilespmem:$0x370]  }
0x75: {  	v2 =	vld [tilespmem:$0x300]  }
0x76: {  	v3 =	vld [tilespmem:$0x260]  }
0x77: {  	v4 =	vld [tilespmem:$0x250]  }
0x78: {  	v5 =	vld [tilespmem:$0x240];
	v0 =	vsub.f32 $0.0e+00, v0  }
0x79: {  	v6 =	vld [tilespmem:$0x220];
	v1 =	vsub.f32 $0.0e+00, v1  }
0x7a: {  	v7 =	vld [tilespmem:$0x210];
	v2 =	vsub.f32 $0.0e+00, v2;
	v0 =	vmul.f32 $1.442695020e+00, v0  }
0x7b: {  	v8 =	vld [tilespmem:$0x200];
	v1 =	vmul.f32 $1.442695020e+00, v1  }
0x7c: {  	v2 =	vmul.f32 $1.442695020e+00, v2;
	v9 =	vld [tilespmem:$0x3E0];
	(erf) = vpow2.f32 v0  }
0x7d: {  	v0 =	vld [tilespmem:$0x270];
	(erf) = vpow2.f32 v1  }
0x7e: {  	v1 =	vsub.f32 $0.0e+00, v6;
	v6 =	vld [tilespmem:$0x280];
	(erf) = vpow2.f32 v2  }
0x7f: {  	v5 =	vsub.f32 $0.0e+00, v5;
	v2 =	vsub.f32 $0.0e+00, v7;
	v7 =	vld [tilespmem:$0x290]  }
0x80: {  	v4 =	vsub.f32 $0.0e+00, v4;
	v8 =	vsub.f32 $0.0e+00, v8;
	v1 =	vmul.f32 $1.442695020e+00, v1;
	v10 =	vld [tilespmem:$0x2A0]  }
0x81: {  	v3 =	vsub.f32 $0.0e+00, v3;
	v5 =	vmul.f32 $1.442695020e+00, v5;
	v11 =	vld [tilespmem:$0x2B0];
	v9 =	vsub.f32 $0.0e+00, v9  }
0x82: {  	v4 =	vmul.f32 $1.442695020e+00, v4;
	v8 =	vmul.f32 $1.442695020e+00, v8;
	v16 =	vsub.f32 $0.0e+00, v0;
	v12 =	vld [tilespmem:$0x2C0]  }
0x83: {  	v6 =	vsub.f32 $0.0e+00, v6;
	v13 =	vld [tilespmem:$0x2D0];
	v9 =	vmul.f32 $1.442695020e+00, v9;
	(erf) = vpow2.f32 v5  }
0x84: {  	v17 =	vmul.f32 $1.442695020e+00, v16;
	v18 =	vsub.f32 $0.0e+00, v7;
	v15 =	vld [tilespmem:$0x2E0];
	(erf) = vpow2.f32 v8  }
0x85: {  	v6 =	vmul.f32 $1.442695020e+00, v6;
	v8 =	vsub.f32 $0.0e+00, v10;
	v10 =	vld [tilespmem:$0x2F0];
	(erf) = vpow2.f32 v1;
	v0 =	vpop (erf)  }
0x86: {  	v7 =	vld [tilespmem:$0x230];
	v16 =	vmul.f32 $1.442695020e+00, v18;
	v1 =	vsub.f32 $0.0e+00, v11;
	(erf) = vpow2.f32 v17;
	v5 =	vpop (erf)  }
0x87: {  	v3 =	vmul.f32 $1.442695020e+00, v3;
	v8 =	vmul.f32 $1.442695020e+00, v8;
	v11 =	vld [tilespmem:$0x310];
	v5 =	vadd.f32 $1.000000000e+00, v5;
	v14 =	vpop (erf)  }
0x88: {  	v1 =	vmul.f32 $1.442695020e+00, v1;
	v13 =	vsub.f32 $0.0e+00, v13;
	v17 =	vld [tilespmem:$0x320];
	(erf) = vpow2.f32 v9  }
0x89: {  	v9 =	vsub.f32 $0.0e+00, v12;
	v12 =	vsub.f32 $0.0e+00, v15;
	v18 =	vld [tilespmem:$0x330];
	(erf) = vpow2.f32 v4  }
0x8a: {  	v22 =	vmul.f32 $1.442695020e+00, v13;
	v4 =	vsub.f32 $0.0e+00, v10;
	v10 =	vld [tilespmem:$0x340];
	(erf) = vpow2.f32 v8  }
0x8b: {  	v14 =	vadd.f32 $1.000000000e+00, v14;
	v8 =	vmul.f32 $1.442695020e+00, v12;
	v19 =	vld [tilespmem:$0x350];
	(erf) = vpow2.f32 v1  }
0x8c: {  	v1 =	vmul.f32 $1.442695020e+00, v4;
	v23 =	vsub.f32 $0.0e+00, v11;
	v11 =	vld [tilespmem:$0x360];
	v13 =	vpop (erf);
	(erf) = vpow2.f32 v6  }
0x8d: {  	v4 =	vmul.f32 $1.442695020e+00, v9;
	v6 =	vsub.f32 $0.0e+00, v17;
	v15 =	vld [tilespmem:$0x380];
	v9 =	vpop (erf);
	(erf) = vrcp.f32 v14  }
0x8e: {  	v2 =	vmul.f32 $1.442695020e+00, v2;
	v17 =	vadd.f32 $1.000000000e+00, v9;
	v9 =	vld [tilespmem:$0x390];
	v12 =	vpop (erf);
	(erf) = vrcp.f32 v5  }
0x8f: {  	v13 =	vadd.f32 $1.000000000e+00, v13;
	v24 =	vadd.f32 $1.000000000e+00, v12;
	v14 =	vld [tilespmem:$0x3A0];
	v5 =	vpop (erf);
	(erf) = vpow2.f32 v16  }
0x90: {  	v27 =	vsub.f32 $0.0e+00, v10;
	v12 =	vsub.f32 $0.0e+00, v19;
	v20 =	vld [tilespmem:$0x3B0];
	(erf) = vpow2.f32 v3  }
.Ltmp1:
0x91: {  	v26 =	vsub.f32 $0.0e+00, v18;
	v25 =	vmul.f32 $1.442695020e+00, v6;
	v6 =	vld [tilespmem:$0x3C0];
	(erf) = vpow2.f32 v8;
	v3 =	vpop (erf);
	(pc) =	sbr.rel @p0 .LBB2_1-.Ltmp1, $4  }
0x92: {  	v21 =	vmul.f32 $1.442695020e+00, v12;
	v16 =	vld [tilespmem:$0x3D0];
	v19 =	vadd.f32 $1.000000000e+00, v3;
	v3 =	vpop (erf);
	(erf) = vpow2.f32 v22  }
0x93: {  	v18 =	vadd.f32 $1.000000000e+00, v3;
	v3 =	vmul.f32 $1.442695020e+00, v27;
	v10 =	vpop (erf);
	(erf) = vpow2.f32 v25  }
0x94: {  	v12 =	vadd.f32 $1.000000000e+00, v5;
	v5 =	vmul.f32 $1.442695020e+00, v26;
	(erf) = vrcp.f32 v17;
	v8 =	vpop (erf)  }
0x95: {  	v22 =	vmul.f32 $1.442695020e+00, v23;
	v17 =	vadd.f32 $1.000000000e+00, v8;
	(erf) = vrcp.f32 v24;
	v8 =	vpop (erf)  }
.LBB2_2:
0x96: {  	v23 =	vpop (erf);
	(erf) = vpow2.f32 v21  }
0x97: {  	v15 =	vsub.f32 $0.0e+00, v15;
	(erf) = vpow2.f32 v22;
	v34 =	vpop (erf)  }
0x98: {  	v20 =	vsub.f32 $0.0e+00, v20;
	v35 =	vpop (erf);
	(erf) = vrcp.f32 v19  }
0x99: {  	v15 =	vmul.f32 $1.442695020e+00, v15;
	(erf) = vrcp.f32 v13;
	v36 =	vpop (erf)  }
0x9a: {  	v7 =	vsub.f32 $0.0e+00, v7;
	v37 =	vmul.f32 $1.442695020e+00, v20;
	(erf) = vrcp.f32 v18;
	v38 =	vpop (erf)  }
0x9b: {  	v39 =	vpop (erf);
	(erf) = vpow2.f32 v15  }
0x9c: {  	v7 =	vmul.f32 $1.442695020e+00, v7;
	v40 =	vpop (erf);
	(erf) = vpow2.f32 v37  }
0x9d: {  	v41 =	vpop (erf);
	(erf) = vrcp.f32 v17  }
0x9e: {  	v0 =	vadd.f32 $1.000000000e+00, v0;
	v42 =	vpop (erf);
	(erf) = vpow2.f32 v7  }
0x9f: {  	v43 =	vsub.f32 $0.0e+00, v11;
	(erf) = vpow2.f32 v4;
	v44 =	vpop (erf)  }
0xa0: {  	v45 =	vpop (erf);
	(erf) = vrcp.f32 v0  }
0xa1: {  	v46 =	vsub.f32 $0.0e+00, v14;
	v7 =	vmul.f32 $1.442695020e+00, v43;
	(erf) = vrcp.f32 v12;
	v47 =	vpop (erf)  }
0xa2: {  	v48 =	vpop (erf);
	(erf) = vpow2.f32 v1  }
0xa3: {  	v49 =	vsub.f32 $0.0e+00, v16;
	v0 =	vmul.f32 $1.442695020e+00, v46;
	v50 =	vpop (erf);
	(erf) = vpow2.f32 v7  }
0xa4: {  	v51 =	vsub.f32 $0.0e+00, v9;
	v52 =	vadd.f32 $1.000000000e+00, v39;
	(erf) = vpow2.f32 v2;
	v53 =	vpop (erf)  }
0xa5: {  	v1 =	vmul.f32 $1.442695020e+00, v49;
	(erf) = vpow2.f32 v0;
	v54 =	vpop (erf)  }
0xa6: {  	v7 =	vmul.f32 $1.442695020e+00, v51;
	v55 =	vpop (erf);
	(erf) = vrcp.f32 v52  }
0xa7: {  	v56 =	vpop (erf);
	(erf) = vpow2.f32 v1  }
0xa8: {  	v57 =	vpop (erf);
	(erf) = vpow2.f32 v7  }
0xa9: {  	v6 =	vsub.f32 $0.0e+00, v6;
	v58 =	vadd.f32 $1.000000000e+00, v40;
	(erf) = vpow2.f32 v5;
	v59 =	vpop (erf)  }
0xaa: {  	v60 =	vadd.f32 $1.000000000e+00, v38;
	v61 =	vpop (erf);
	(erf) = vpow2.f32 v3  }
0xab: {  	[tilespmem:$0x300] =	vst v23;
	v62 =	vmul.f32 $1.442695020e+00, v6;
	v63 =	vpop (erf);
	(erf) = vrcp.f32 v58  }
0xac: {  	v21 =	vadd.f32 $1.000000000e+00, v10;
	[tilespmem:$0x370] =	vst v34;
	(erf) = vrcp.f32 v60;
	v23 =	vpop (erf)  }
0xad: {  	[tilespmem:$0x200] =	vst v41;
	v4 =	vadd.f32 $1.000000000e+00, v44;
	v24 =	vpop (erf);
	(erf) = vpow2.f32 v62  }
0xae: {  	v25 =	vadd.f32 $1.000000000e+00, v36;
	[tilespmem:$0x220] =	vst v42;
	(erf) = vrcp.f32 v21;
	v26 =	vpop (erf)  }
0xaf: {  	v27 =	vadd.f32 $1.000000000e+00, v35;
	[tilespmem:$0x3E0] =	vst v47;
	v28 =	vpop (erf);
	(erf) = vrcp.f32 v4  }
0xb0: {  	v29 =	vadd.f32 $1.000000000e+00, v45;
	[tilespmem:$0x240] =	vst v48;
	(erf) = vrcp.f32 v25;
	v30 =	vpop (erf)  }
0xb1: {  	v8 =	vadd.f32 $1.000000000e+00, v8;
	[tilespmem:$0x250] =	vst v50;
	(erf) = vrcp.f32 v27;
	v31 =	vpop (erf)  }
0xb2: {  	[tilespmem:$0x2B0] =	vst v55;
	v3 =	vadd.f32 $1.000000000e+00, v30;
	(erf) = vrcp.f32 v29;
	v32 =	vpop (erf)  }
0xb3: {  	v2 =	vadd.f32 $1.000000000e+00, v53;
	[tilespmem:$0x3F0] =	vst v59;
	(erf) = vrcp.f32 v8;
	v33 =	vpop (erf)  }
0xb4: {  	[tilespmem:$0x270] =	vst v61;
	v34 =	vadd.f32 $1.000000000e+00, v23;
	v35 =	vpop (erf);
	(erf) = vrcp.f32 v3  }
0xb5: {  	v0 =	vadd.f32 $1.000000000e+00, v54;
	[tilespmem:$0x2D0] =	vst v28;
	v36 =	vpop (erf);
	(erf) = vrcp.f32 v2  }
0xb6: {  	v37 =	vadd.f32 $1.000000000e+00, v56;
	[tilespmem:$0x320] =	vst v35;
	(erf) = vrcp.f32 v34;
	v38 =	vpop (erf)  }
0xb7: {  	v7 =	vadd.f32 $1.000000000e+00, v26;
	[tilespmem:$0x2E0] =	vst v36;
	v39 =	vpop (erf);
	(erf) = vrcp.f32 v0  }
0xb8: {  	v40 =	vadd.f32 $1.000000000e+00, v31;
	[tilespmem:$0x2A0] =	vst v39;
	(erf) = vrcp.f32 v37;
	v41 =	vpop (erf)  }
0xb9: {  	v42 =	vadd.f32 $1.000000000e+00, v32;
	[tilespmem:$0x350] =	vst v41;
	v43 =	vpop (erf);
	(erf) = vrcp.f32 v7  }
0xba: {  	v44 =	vadd.f32 $1.000000000e+00, v24;
	[tilespmem:$0x260] =	vst v43;
	v45 =	vpop (erf);
	(erf) = vrcp.f32 v40  }
0xbb: {  	v46 =	vadd.f32 $1.000000000e+00, v63;
	[tilespmem:$0x290] =	vst v45;
	v47 =	vpop (erf);
	(erf) = vrcp.f32 v42  }
0xbc: {  	v48 =	vadd.f32 $1.000000000e+00, v33;
	[tilespmem:$0x310] =	vst v47;
	(erf) = vrcp.f32 v44;
	v49 =	vpop (erf)  }
0xbd: {  	v50 =	vadd.f32 $1.000000000e+00, v38;
	[tilespmem:$0x280] =	vst v49;
	(erf) = vrcp.f32 v46;
	v51 =	vpop (erf)  }
0xbe: {  	v1 =	vadd.f32 $1.000000000e+00, v57;
	[tilespmem:$0x3D0] =	vst v51;
	(erf) = vrcp.f32 v48;
	v52 =	vpop (erf)  }
0xbf: {  	[tilespmem:$0x380] =	vst v52;
	v53 =	vpop (erf);
	(erf) = vrcp.f32 v50  }
0xc0: {  	[tilespmem:$0x360] =	vst v53;
	(erf) = vrcp.f32 v1;
	v54 =	vpop (erf)  }
0xc1: {  	[tilespmem:$0x3B0] =	vst v54;
	v55 =	vpop (erf)  }
0xc2: {  	[tilespmem:$0x230] =	vst v55;
	v56 =	vpop (erf)  }
0xc3: {  	[tilespmem:$0x3A0] =	vst v56;
	v57 =	vpop (erf)  }
0xc4: {  	[tilespmem:$0x390] =	vst v57;
	v58 =	vpop (erf)  }
0xc5: {  	[tilespmem:$0x330] =	vst v58;
	v59 =	vpop (erf)  }
0xc6: {  	[tilespmem:$0x210] =	vst v59;
	v60 =	vpop (erf)  }
0xc7: {  	[tilespmem:$0x2F0] =	vst v60;
	v61 =	vpop (erf)  }
0xc8: {  	[tilespmem:$0x340] =	vst v61;
	v62 =	vpop (erf)  }
0xc9: {  	[tilespmem:$0x3C0] =	vst v62;
	v63 =	vpop (erf)  }
0xca: {  	[tilespmem:$0x2C0] =	vst v63  }
0xcb: {  	[hbm4b:s5+s2] =	stream.linear.scatter [tilespmem:s4], [sflag:$0x2], $0x200, $0x38;
	[tilespmem:$0x400] =	vst v63  }
0xcc: {  	_ =	swait.ge [sflag:s3], $0x200  }
0xcd: {  	[sflag:s3] =	ssyncset.done $0x0  }
0xce: {  	[sflag:s3] =	ssyncadd.s32 $0xFFFFFE00  }
0xcf: {  	_ =	sfence.sel $0x180000  }
0xd0: {  	[bflag:$0x0] =	sbarrier.arrive $0xFFFF  }
0xd1: {  	p0 =	sne.s32 s0, $0x0;
	_ =	strace $0x90000047  }
0xd2: {  	s0 =	sadd.s32 @!p0 $0x100000, s1;
	[bflag:$0x2] =	sbarrier.arrive $0xFFFF  }
0xd3: {  	[sflag:s0] =	ssyncadd.tile.s32 @!p0 $0x1;
	_ =	shalt  }
.Lfunc_end2:
_tile_overlayer_lowered:
.L_overlay_start_2:
0xd4: {  	(tag) =	ssettag $0x2  }
0xd5: {  	s0 =	rddreg [dreg:$0x0];
	s2 =	stileid.u32  }
0xd6: {  	s1 =	rddreg [dreg:$0x1];
	p0 =	sne.s32 s2, $0x0  }
0xd7: {  	s3 =	rddreg [dreg:$0x2];
	[bflag:$0x3] =	sbarrier.arrive $0xFFFF;
	s2 =	simm.s32 @!p0 $0x1C02  }
0xd8: {  	[timem:s3], [sflag:s2] =	dma.local @!p0 [hbm:s0], s1  }
0xd9: {  	s0 =	simm.s32 @!p0 $0x2  }
0xda: {  	_ =	swait.ge @!p0 [sflag:s0], s1  }
0xdb: {  	s1 =	ssub.s32 @!p0 $0x0, s1;
	[sflag:s0] =	ssyncset.done @!p0 $0x0  }
0xdc: {  	[sflag:s0] =	ssyncadd.s32 @!p0 s1  }
0xdd: {  	[bflag:$0x3] =	sbarrier.arrive $0xFFFF  }
0xde: {  	_ =	shalt  }

</sc_bundles>
